<compile_context>
chip_gen: v7x
topology: tpu7x:2x2x1
jax: 0.10.2.dev20260603
libtpu: 0.0.44.dev20260713+nightly
codegen_flags: <defaults>
</compile_context>

<pallas_src>
import jax
import jax.numpy as jnp
from jax import lax
from jax.experimental import pallas as pl
from jax.experimental.pallas import tpu as pltpu
from jax.experimental.pallas import tpu_sc as plsc

_LOG1P25 = 0.22314355131420976

_N_ROWS = 16384
_N_COLS = 4096

_SC_ROWS = 7168
_TC_ROWS = _N_ROWS - _SC_ROWS
_TC_BLOCK = 512

_NW = 32
_ROWS_PER_W = _SC_ROWS // _NW
_CHUNK_ROWS = 8
_N_CHUNKS = _ROWS_PER_W // _CHUNK_ROWS
_UNROLL = 16
_INNER = _N_COLS // (16 * _UNROLL)

assert _SC_ROWS % _NW == 0 and _ROWS_PER_W % (2 * _CHUNK_ROWS) == 0
assert _TC_ROWS % _TC_BLOCK == 0


def _log1p_small(u):
    p = -0.125
    for c in (1 / 7, -1 / 6, 1 / 5, -1 / 4, 1 / 3, -1 / 2, 1.0):
        p = p * u + c
    return p * u


def _row_loss_terms(buf, acc):
    n_acc = 4
    zero = jnp.zeros((16,), jnp.float32)

    def row_body(r, acc):
        def body(j, carry):
            ms = list(carry[:n_acc])
            ss = list(carry[n_acc:])
            base = j * (16 * _UNROLL)
            xs = [buf[r, pl.ds(base + k * 16, 16)] for k in range(_UNROLL)]
            es = [jnp.exp(x) for x in xs]
            for k in range(_UNROLL):
                ms[k % n_acc] = jnp.maximum(ms[k % n_acc], es[k])
                ss[k % n_acc] = ss[k % n_acc] + es[k]
            return tuple(ms) + tuple(ss)

        carry = lax.fori_loop(0, _INNER, body, (zero,) * (2 * n_acc))
        ms = carry[:n_acc]
        ss = carry[n_acc:]
        while len(ms) > 1:
            ms = tuple(jnp.maximum(ms[i], ms[i + 1]) for i in range(0, len(ms), 2))
            ss = tuple(ss[i] + ss[i + 1] for i in range(0, len(ss), 2))
        emax = jnp.max(ms[0])
        s = jnp.sum(ss[0])
        valv = jnp.full((16,), emax) / jnp.full((16,), s)
        tv = _log1p_small(-0.2 * valv) + _LOG1P25
        return acc + tv * tv

    return lax.fori_loop(0, _CHUNK_ROWS, row_body, acc)


def _sc_body(action, aux, out, buf_a, buf_b, pbuf, obuf, sem_a, sem_b):
    wid = lax.axis_index("s") * 2 + lax.axis_index("c")
    base_row = _TC_ROWS + wid * _ROWS_PER_W

    def start(i, buf, sem):
        return pltpu.async_copy(
            action.at[pl.ds(base_row + i * _CHUNK_ROWS, _CHUNK_ROWS)], buf, sem)

    def wait(buf, sem):
        pltpu.make_async_copy(
            action.at[pl.ds(base_row, _CHUNK_ROWS)], buf, sem).wait()

    start(0, buf_a, sem_a)

    def outer(c, acc):
        i0 = 2 * c
        start(i0 + 1, buf_b, sem_b)
        wait(buf_a, sem_a)
        acc = _row_loss_terms(buf_a, acc)

        @pl.when(i0 + 2 < _N_CHUNKS)
        def _():
            start(i0 + 2, buf_a, sem_a)

        wait(buf_b, sem_b)
        acc = _row_loss_terms(buf_b, acc)
        return acc

    acc = lax.fori_loop(0, _N_CHUNKS // 2, outer, jnp.zeros((16,), jnp.float32))

    pltpu.sync_copy(aux, pbuf)
    pv = pbuf[...]
    p0 = pv[0]
    p1 = pv[1]
    labv = pv[2]
    gate = jnp.where((p1 > p0) & (labv == 1.0), 0.0, 1.0)
    part = acc[0] * gate * (1.0 / _N_ROWS)
    lane = lax.iota(jnp.int32, 16)
    obuf[...] = jnp.where(lane == 0, jnp.full((16,), part), jnp.zeros((16,)))
    pltpu.sync_copy(obuf, out.at[wid])


def _tc_body(pred_ref, lab_ref, act_ref, out_ref):
    i = pl.program_id(0)
    x = act_ref[...]
    m = jnp.max(x, axis=1, keepdims=True)
    s = jnp.sum(jnp.exp(x - m), axis=1)
    val = 1.0 / s
    t = jnp.log1p(-0.2 * val) + _LOG1P25
    part = jnp.sum(t * t)

    @pl.when(i == 0)
    def _init():
        out_ref[0, 0] = 0.0

    out_ref[0, 0] += part

    @pl.when(i == pl.num_programs(0) - 1)
    def _fin():
        p0 = pred_ref[0, 0]
        p1 = pred_ref[0, 1]
        gate_off = (p1 > p0) & (lab_ref[0] == 1)
        out_ref[0, 0] = jnp.where(
            gate_off, 0.0, out_ref[0, 0] * (1.0 / _N_ROWS))


@jax.jit
def kernel(action, predict, label):
    aux = jnp.concatenate(
        [predict.reshape(-1),
         label.astype(jnp.float32),
         jnp.zeros((13,), jnp.float32)])
    mesh = plsc.VectorSubcoreMesh(core_axis_name="c", subcore_axis_name="s")
    sc_run = pl.kernel(
        _sc_body,
        out_type=jax.ShapeDtypeStruct((_NW, 16), jnp.float32),
        mesh=mesh,
        scratch_types=[
            pltpu.VMEM((_CHUNK_ROWS, _N_COLS), jnp.float32),
            pltpu.VMEM((_CHUNK_ROWS, _N_COLS), jnp.float32),
            pltpu.VMEM((16,), jnp.float32),
            pltpu.VMEM((16,), jnp.float32),
            pltpu.SemaphoreType.DMA,
            pltpu.SemaphoreType.DMA,
        ],
        compiler_params=pltpu.CompilerParams(needs_layout_passes=False),
    )
    sc_parts = sc_run(action, aux)

    tc_out = pl.pallas_call(
        _tc_body,
        grid=(_TC_ROWS // _TC_BLOCK,),
        in_specs=[
            pl.BlockSpec(memory_space=pltpu.SMEM),
            pl.BlockSpec(memory_space=pltpu.SMEM),
            pl.BlockSpec((_TC_BLOCK, _N_COLS), lambda i: (i, 0)),
        ],
        out_specs=pl.BlockSpec(memory_space=pltpu.SMEM),
        out_shape=jax.ShapeDtypeStruct((1, 1), jnp.float32),
    )(predict, label, action)

    return tc_out[0, 0] + jnp.sum(sc_parts)

# --- scband reference (transcript-rebuilt; emitter-appended) ---
"""Pipeline reference for scband-generator-loss-85753317032473 (READ-ONLY COPY).

The authoritative reference and input builder live on the scoring server;
editing this copy changes nothing except your own understanding.
"""

import jax, jax.numpy as jnp
import numpy as np


def setup_inputs(seed: int = 0) -> dict:
    key = jax.random.key(seed)
    k1, k2 = jax.random.split(key)
    action = jax.random.normal(k1, (16384, 4096), dtype=jnp.float32)
    predict = jax.random.normal(k2, (1, 2), dtype=jnp.float32)
    label = jnp.ones((1,), dtype=jnp.int32)
    return {"action": action, "predict": predict, "label": label}


def reference(action, predict, label):
    # softmax over predict, argmax -> python int (mirrors .item())
    sm = jax.nn.softmax(predict, axis=1)
    indx = jnp.argmax(sm, axis=1)[0]
    lab = label.reshape(-1)[0]
    # F.softmax(action) -> implicit dim=1 for 2D
    act = jax.nn.softmax(action, axis=1)
    actions = jax.lax.stop_gradient(act)  # clone().detach()
    rows = jnp.arange(act.shape[0])
    am = jnp.argmax(actions, axis=-1)
    val = jnp.max(actions, axis=-1)
    cond = (indx == 1) & (lab == 1)
    a_sel = act[rows, am]
    t_sel_true = actions[rows, am]
    actions2 = actions.at[rows, am].set(val - val * 0.2)
    actions2 = actions2 / jnp.sum(actions2, axis=1, keepdims=True)
    t_sel_false = actions2[rows, am]
    t_sel = jnp.where(cond, t_sel_true, t_sel_false)
    loss = jnp.mean((jnp.log(a_sel) - jnp.log(t_sel)) ** 2)
    return loss

if __name__ == "__main__":
    import jax
    _d = setup_inputs()
    print(jax.jit(kernel)(*tuple(_d.values())))

</pallas_src>

<mosaic_0001>
#map = affine_map<(d0, d1) -> (0, 0)>
#map1 = affine_map<(d0, d1) -> (0)>
module attributes {stable_mosaic.version = 14 : i64} {
  func.func @_sc_body(%arg0: i32, %arg1: i32, %arg2: memref<16384x4096xf32, #tpu.memory_space<hbm>>, %arg3: memref<16xf32, #tpu.memory_space<hbm>>, %arg4: memref<32x16xf32, #tpu.memory_space<hbm>>, %arg5: memref<8x4096xf32, #tpu.memory_space<vmem>>, %arg6: memref<8x4096xf32, #tpu.memory_space<vmem>>, %arg7: memref<16xf32, #tpu.memory_space<vmem>>, %arg8: memref<16xf32, #tpu.memory_space<vmem>>, %arg9: memref<!tpu.dma_semaphore, #tpu.memory_space<semaphore_mem>>, %arg10: memref<!tpu.dma_semaphore, #tpu.memory_space<semaphore_mem>>) attributes {dimension_semantics = [#tpu.dimension_semantics<core_parallel>, #tpu.dimension_semantics<subcore_parallel>], iteration_bounds = array<i64: 2, 16>, scalar_prefetch = 0 : i64, scratch_operands = 6 : i64, tpu.core_type = #tpu.core_type<sc_vector_subcore>, window_params = [{transform_indices = #map}, {transform_indices = #map1}, {transform_indices = #map}]} {
    %mul3A = arith.constant 2 : i32
    %mul3A_0 = arith.muli %arg1, %mul3A : i32
    %add3A = arith.addi %mul3A_0, %arg0 : i32
    %mul3A_1 = arith.constant 224 : i32
    %mul3A_2 = arith.muli %add3A, %mul3A_1 : i32
    %add3A_3 = arith.constant 9216 : i32
    %add3A_4 = arith.addi %add3A_3, %mul3A_2 : i32
    %add3A_5 = arith.constant 0 : i32
    %add3A_6 = arith.addi %add3A_4, %add3A_5 : i32
    %dma_start3A = arith.constant 0 : i32
    %dma_start3A_7 = tpu.memref_slice %arg2[%add3A_6, %dma_start3A] : memref<16384x4096xf32, #tpu.memory_space<hbm>> -> memref<8x4096xf32, #tpu.memory_space<hbm>>
    %dma_start3A_8 = arith.constant 0 : i32
    %dma_start3A_9 = tpu.memref_slice %arg2[%add3A_6, %dma_start3A_8] : memref<16384x4096xf32, #tpu.memory_space<hbm>> -> memref<8x4096xf32, #tpu.memory_space<hbm>>
    tpu.enqueue_dma source(%dma_start3A_9 : memref<8x4096xf32, #tpu.memory_space<hbm>>) target(%arg5 : memref<8x4096xf32, #tpu.memory_space<vmem>>) target_semaphore(%arg9 : memref<!tpu.dma_semaphore, #tpu.memory_space<semaphore_mem>>)
    %broadcast_in_dim3A = arith.constant 0.000000e+00 : f32
    %broadcast_in_dim3A_10 = vector.broadcast %broadcast_in_dim3A : f32 to vector<16xf32>
    %scan3A = arith.constant 0 : i32
    %scan3A_11 = arith.constant 14 : i32
    %scan3A_12 = arith.addi %scan3A, %scan3A_11 : i32
    %scan3A_13 = arith.constant 1 : i32
    %scan3A_14 = scf.for %scan3A_36 = %scan3A to %scan3A_12 step %scan3A_13 iter_args(%scan3A_37 = %broadcast_in_dim3A_10) -> (vector<16xf32>)  : i32 {
      %mul3A_38 = arith.constant 2 : i32
      %mul3A_39 = arith.muli %mul3A_38, %scan3A_36 : i32
      %add3A_40 = arith.constant 1 : i32
      %add3A_41 = arith.addi %mul3A_39, %add3A_40 : i32
      %mul3A_42 = arith.constant 8 : i32
      %mul3A_43 = arith.muli %add3A_41, %mul3A_42 : i32
      %add3A_44 = arith.addi %add3A_4, %mul3A_43 : i32
      %dma_start3A_45 = arith.constant 0 : i32
      %dma_start3A_46 = tpu.memref_slice %arg2[%add3A_44, %dma_start3A_45] : memref<16384x4096xf32, #tpu.memory_space<hbm>> -> memref<8x4096xf32, #tpu.memory_space<hbm>>
      %dma_start3A_47 = arith.constant 0 : i32
      %dma_start3A_48 = tpu.memref_slice %arg2[%add3A_44, %dma_start3A_47] : memref<16384x4096xf32, #tpu.memory_space<hbm>> -> memref<8x4096xf32, #tpu.memory_space<hbm>>
      tpu.enqueue_dma source(%dma_start3A_48 : memref<8x4096xf32, #tpu.memory_space<hbm>>) target(%arg6 : memref<8x4096xf32, #tpu.memory_space<vmem>>) target_semaphore(%arg10 : memref<!tpu.dma_semaphore, #tpu.memory_space<semaphore_mem>>)
      %dma_wait3A = arith.constant 0 : i32
      %dma_wait3A_49 = tpu.memref_slice %arg2[%add3A_4, %dma_wait3A] : memref<16384x4096xf32, #tpu.memory_space<hbm>> -> memref<8x4096xf32, #tpu.memory_space<hbm>>
      %dma_wait3A_50 = arith.constant 0 : i32
      %dma_wait3A_51 = tpu.memref_slice %arg2[%add3A_4, %dma_wait3A_50] : memref<16384x4096xf32, #tpu.memory_space<hbm>> -> memref<8x4096xf32, #tpu.memory_space<hbm>>
      tpu.wait_dma2 semaphore(%arg9 : memref<!tpu.dma_semaphore, #tpu.memory_space<semaphore_mem>>) src(%dma_wait3A_51 : memref<8x4096xf32, #tpu.memory_space<hbm>>) dst(%arg5 : memref<8x4096xf32, #tpu.memory_space<vmem>>)
      %broadcast_in_dim3A_52 = arith.constant 0.000000e+00 : f32
      %broadcast_in_dim3A_53 = vector.broadcast %broadcast_in_dim3A_52 : f32 to vector<16xf32>
      %scan3A_54 = arith.constant 0 : i32
      %scan3A_55 = arith.constant 8 : i32
      %scan3A_56 = arith.addi %scan3A_54, %scan3A_55 : i32
      %scan3A_57 = arith.constant 1 : i32
      %scan3A_58 = scf.for %scan3A_76 = %scan3A_54 to %scan3A_56 step %scan3A_57 iter_args(%scan3A_77 = %scan3A_37) -> (vector<16xf32>)  : i32 {
        %scan3A_78 = arith.constant 0 : i32
        %scan3A_79 = arith.constant 16 : i32
        %scan3A_80 = arith.addi %scan3A_78, %scan3A_79 : i32
        %scan3A_81 = arith.constant 1 : i32
        %scan3A_82:8 = scf.for %scan3A_136 = %scan3A_78 to %scan3A_80 step %scan3A_81 iter_args(%scan3A_137 = %broadcast_in_dim3A_53, %scan3A_138 = %broadcast_in_dim3A_53, %scan3A_139 = %broadcast_in_dim3A_53, %scan3A_140 = %broadcast_in_dim3A_53, %scan3A_141 = %broadcast_in_dim3A_53, %scan3A_142 = %broadcast_in_dim3A_53, %scan3A_143 = %broadcast_in_dim3A_53, %scan3A_144 = %broadcast_in_dim3A_53) -> (vector<16xf32>, vector<16xf32>, vector<16xf32>, vector<16xf32>, vector<16xf32>, vector<16xf32>, vector<16xf32>, vector<16xf32>)  : i32 {
          %mul3A_145 = arith.constant 256 : i32
          %mul3A_146 = arith.muli %scan3A_136, %mul3A_145 : i32
          %add3A_147 = arith.constant 0 : i32
          %add3A_148 = arith.addi %mul3A_146, %add3A_147 : i32
          %get3A_149 = arith.index_cast %scan3A_76 : i32 to index
          %get3A_150 = arith.index_cast %add3A_148 : i32 to index
          %get3A_151 = tpu.vector_load %arg5[%get3A_149, %get3A_150] {strides = array<i32>} : memref<8x4096xf32, #tpu.memory_space<vmem>>, vector<16xf32>,
          %add3A_152 = arith.constant 16 : i32
          %add3A_153 = arith.addi %mul3A_146, %add3A_152 : i32
          %get3A_154 = arith.index_cast %scan3A_76 : i32 to index
          %get3A_155 = arith.index_cast %add3A_153 : i32 to index
          %get3A_156 = tpu.vector_load %arg5[%get3A_154, %get3A_155] {strides = array<i32>} : memref<8x4096xf32, #tpu.memory_space<vmem>>, vector<16xf32>,
          %add3A_157 = arith.constant 32 : i32
          %add3A_158 = arith.addi %mul3A_146, %add3A_157 : i32
          %get3A_159 = arith.index_cast %scan3A_76 : i32 to index
          %get3A_160 = arith.index_cast %add3A_158 : i32 to index
          %get3A_161 = tpu.vector_load %arg5[%get3A_159, %get3A_160] {strides = array<i32>} : memref<8x4096xf32, #tpu.memory_space<vmem>>, vector<16xf32>,
          %add3A_162 = arith.constant 48 : i32
          %add3A_163 = arith.addi %mul3A_146, %add3A_162 : i32
          %get3A_164 = arith.index_cast %scan3A_76 : i32 to index
          %get3A_165 = arith.index_cast %add3A_163 : i32 to index
          %get3A_166 = tpu.vector_load %arg5[%get3A_164, %get3A_165] {strides = array<i32>} : memref<8x4096xf32, #tpu.memory_space<vmem>>, vector<16xf32>,
          %add3A_167 = arith.constant 64 : i32
          %add3A_168 = arith.addi %mul3A_146, %add3A_167 : i32
          %get3A_169 = arith.index_cast %scan3A_76 : i32 to index
          %get3A_170 = arith.index_cast %add3A_168 : i32 to index
          %get3A_171 = tpu.vector_load %arg5[%get3A_169, %get3A_170] {strides = array<i32>} : memref<8x4096xf32, #tpu.memory_space<vmem>>, vector<16xf32>,
          %add3A_172 = arith.constant 80 : i32
          %add3A_173 = arith.addi %mul3A_146, %add3A_172 : i32
          %get3A_174 = arith.index_cast %scan3A_76 : i32 to index
          %get3A_175 = arith.index_cast %add3A_173 : i32 to index
          %get3A_176 = tpu.vector_load %arg5[%get3A_174, %get3A_175] {strides = array<i32>} : memref<8x4096xf32, #tpu.memory_space<vmem>>, vector<16xf32>,
          %add3A_177 = arith.constant 96 : i32
          %add3A_178 = arith.addi %mul3A_146, %add3A_177 : i32
          %get3A_179 = arith.index_cast %scan3A_76 : i32 to index
          %get3A_180 = arith.index_cast %add3A_178 : i32 to index
          %get3A_181 = tpu.vector_load %arg5[%get3A_179, %get3A_180] {strides = array<i32>} : memref<8x4096xf32, #tpu.memory_space<vmem>>, vector<16xf32>,
          %add3A_182 = arith.constant 112 : i32
          %add3A_183 = arith.addi %mul3A_146, %add3A_182 : i32
          %get3A_184 = arith.index_cast %scan3A_76 : i32 to index
          %get3A_185 = arith.index_cast %add3A_183 : i32 to index
          %get3A_186 = tpu.vector_load %arg5[%get3A_184, %get3A_185] {strides = array<i32>} : memref<8x4096xf32, #tpu.memory_space<vmem>>, vector<16xf32>,
          %add3A_187 = arith.constant 128 : i32
          %add3A_188 = arith.addi %mul3A_146, %add3A_187 : i32
          %get3A_189 = arith.index_cast %scan3A_76 : i32 to index
          %get3A_190 = arith.index_cast %add3A_188 : i32 to index
          %get3A_191 = tpu.vector_load %arg5[%get3A_189, %get3A_190] {strides = array<i32>} : memref<8x4096xf32, #tpu.memory_space<vmem>>, vector<16xf32>,
          %add3A_192 = arith.constant 144 : i32
          %add3A_193 = arith.addi %mul3A_146, %add3A_192 : i32
          %get3A_194 = arith.index_cast %scan3A_76 : i32 to index
          %get3A_195 = arith.index_cast %add3A_193 : i32 to index
          %get3A_196 = tpu.vector_load %arg5[%get3A_194, %get3A_195] {strides = array<i32>} : memref<8x4096xf32, #tpu.memory_space<vmem>>, vector<16xf32>,
          %add3A_197 = arith.constant 160 : i32
          %add3A_198 = arith.addi %mul3A_146, %add3A_197 : i32
          %get3A_199 = arith.index_cast %scan3A_76 : i32 to index
          %get3A_200 = arith.index_cast %add3A_198 : i32 to index
          %get3A_201 = tpu.vector_load %arg5[%get3A_199, %get3A_200] {strides = array<i32>} : memref<8x4096xf32, #tpu.memory_space<vmem>>, vector<16xf32>,
          %add3A_202 = arith.constant 176 : i32
          %add3A_203 = arith.addi %mul3A_146, %add3A_202 : i32
          %get3A_204 = arith.index_cast %scan3A_76 : i32 to index
          %get3A_205 = arith.index_cast %add3A_203 : i32 to index
          %get3A_206 = tpu.vector_load %arg5[%get3A_204, %get3A_205] {strides = array<i32>} : memref<8x4096xf32, #tpu.memory_space<vmem>>, vector<16xf32>,
          %add3A_207 = arith.constant 192 : i32
          %add3A_208 = arith.addi %mul3A_146, %add3A_207 : i32
          %get3A_209 = arith.index_cast %scan3A_76 : i32 to index
          %get3A_210 = arith.index_cast %add3A_208 : i32 to index
          %get3A_211 = tpu.vector_load %arg5[%get3A_209, %get3A_210] {strides = array<i32>} : memref<8x4096xf32, #tpu.memory_space<vmem>>, vector<16xf32>,
          %add3A_212 = arith.constant 208 : i32
          %add3A_213 = arith.addi %mul3A_146, %add3A_212 : i32
          %get3A_214 = arith.index_cast %scan3A_76 : i32 to index
          %get3A_215 = arith.index_cast %add3A_213 : i32 to index
          %get3A_216 = tpu.vector_load %arg5[%get3A_214, %get3A_215] {strides = array<i32>} : memref<8x4096xf32, #tpu.memory_space<vmem>>, vector<16xf32>,
          %add3A_217 = arith.constant 224 : i32
          %add3A_218 = arith.addi %mul3A_146, %add3A_217 : i32
          %get3A_219 = arith.index_cast %scan3A_76 : i32 to index
          %get3A_220 = arith.index_cast %add3A_218 : i32 to index
          %get3A_221 = tpu.vector_load %arg5[%get3A_219, %get3A_220] {strides = array<i32>} : memref<8x4096xf32, #tpu.memory_space<vmem>>, vector<16xf32>,
          %add3A_222 = arith.constant 240 : i32
          %add3A_223 = arith.addi %mul3A_146, %add3A_222 : i32
          %get3A_224 = arith.index_cast %scan3A_76 : i32 to index
          %get3A_225 = arith.index_cast %add3A_223 : i32 to index
          %get3A_226 = tpu.vector_load %arg5[%get3A_224, %get3A_225] {strides = array<i32>} : memref<8x4096xf32, #tpu.memory_space<vmem>>, vector<16xf32>,
          %exp3A = math.exp %get3A_151 : vector<16xf32>
          %exp3A_227 = math.exp %get3A_156 : vector<16xf32>
          %exp3A_228 = math.exp %get3A_161 : vector<16xf32>
          %exp3A_229 = math.exp %get3A_166 : vector<16xf32>
          %exp3A_230 = math.exp %get3A_171 : vector<16xf32>
          %exp3A_231 = math.exp %get3A_176 : vector<16xf32>
          %exp3A_232 = math.exp %get3A_181 : vector<16xf32>
          %exp3A_233 = math.exp %get3A_186 : vector<16xf32>
          %exp3A_234 = math.exp %get3A_191 : vector<16xf32>
          %exp3A_235 = math.exp %get3A_196 : vector<16xf32>
          %exp3A_236 = math.exp %get3A_201 : vector<16xf32>
          %exp3A_237 = math.exp %get3A_206 : vector<16xf32>
          %exp3A_238 = math.exp %get3A_211 : vector<16xf32>
          %exp3A_239 = math.exp %get3A_216 : vector<16xf32>
          %exp3A_240 = math.exp %get3A_221 : vector<16xf32>
          %exp3A_241 = math.exp %get3A_226 : vector<16xf32>
          %max3A_242 = arith.maximumf %scan3A_137, %exp3A : vector<16xf32>
          %add3A_243 = arith.addf %scan3A_141, %exp3A : vector<16xf32>
          %max3A_244 = arith.maximumf %scan3A_138, %exp3A_227 : vector<16xf32>
          %add3A_245 = arith.addf %scan3A_142, %exp3A_227 : vector<16xf32>
          %max3A_246 = arith.maximumf %scan3A_139, %exp3A_228 : vector<16xf32>
          %add3A_247 = arith.addf %scan3A_143, %exp3A_228 : vector<16xf32>
          %max3A_248 = arith.maximumf %scan3A_140, %exp3A_229 : vector<16xf32>
          %add3A_249 = arith.addf %scan3A_144, %exp3A_229 : vector<16xf32>
          %max3A_250 = arith.maximumf %max3A_242, %exp3A_230 : vector<16xf32>
          %add3A_251 = arith.addf %add3A_243, %exp3A_230 : vector<16xf32>
          %max3A_252 = arith.maximumf %max3A_244, %exp3A_231 : vector<16xf32>
          %add3A_253 = arith.addf %add3A_245, %exp3A_231 : vector<16xf32>
          %max3A_254 = arith.maximumf %max3A_246, %exp3A_232 : vector<16xf32>
          %add3A_255 = arith.addf %add3A_247, %exp3A_232 : vector<16xf32>
          %max3A_256 = arith.maximumf %max3A_248, %exp3A_233 : vector<16xf32>
          %add3A_257 = arith.addf %add3A_249, %exp3A_233 : vector<16xf32>
          %max3A_258 = arith.maximumf %max3A_250, %exp3A_234 : vector<16xf32>
          %add3A_259 = arith.addf %add3A_251, %exp3A_234 : vector<16xf32>
          %max3A_260 = arith.maximumf %max3A_252, %exp3A_235 : vector<16xf32>
          %add3A_261 = arith.addf %add3A_253, %exp3A_235 : vector<16xf32>
          %max3A_262 = arith.maximumf %max3A_254, %exp3A_236 : vector<16xf32>
          %add3A_263 = arith.addf %add3A_255, %exp3A_236 : vector<16xf32>
          %max3A_264 = arith.maximumf %max3A_256, %exp3A_237 : vector<16xf32>
          %add3A_265 = arith.addf %add3A_257, %exp3A_237 : vector<16xf32>
          %max3A_266 = arith.maximumf %max3A_258, %exp3A_238 : vector<16xf32>
          %add3A_267 = arith.addf %add3A_259, %exp3A_238 : vector<16xf32>
          %max3A_268 = arith.maximumf %max3A_260, %exp3A_239 : vector<16xf32>
          %add3A_269 = arith.addf %add3A_261, %exp3A_239 : vector<16xf32>
          %max3A_270 = arith.maximumf %max3A_262, %exp3A_240 : vector<16xf32>
          %add3A_271 = arith.addf %add3A_263, %exp3A_240 : vector<16xf32>
          %max3A_272 = arith.maximumf %max3A_264, %exp3A_241 : vector<16xf32>
          %add3A_273 = arith.addf %add3A_265, %exp3A_241 : vector<16xf32>
          scf.yield %max3A_266, %max3A_268, %max3A_270, %max3A_272, %add3A_267, %add3A_269, %add3A_271, %add3A_273 : vector<16xf32>, vector<16xf32>, vector<16xf32>, vector<16xf32>, vector<16xf32>, vector<16xf32>, vector<16xf32>, vector<16xf32>
        }
        %scan3A_83 = arith.constant 16 : i32
        %max3A = arith.maximumf %scan3A_82#0, %scan3A_82#1 : vector<16xf32>
        %max3A_84 = arith.maximumf %scan3A_82#2, %scan3A_82#3 : vector<16xf32>
        %add3A_85 = arith.addf %scan3A_82#4, %scan3A_82#5 : vector<16xf32>
        %add3A_86 = arith.addf %scan3A_82#6, %scan3A_82#7 : vector<16xf32>
        %max3A_87 = arith.maximumf %max3A, %max3A_84 : vector<16xf32>
        %add3A_88 = arith.addf %add3A_85, %add3A_86 : vector<16xf32>
        %reduce_max3A = arith.constant true
        %reduce_max3A_89 = vector.broadcast %reduce_max3A : i1 to vector<16xi1>
        %reduce_max3A_90 = tpu.scan <max>, %max3A_87 masked %reduce_max3A_89 : vector<16xf32>, vector<16xi1> -> vector<16xf32>
        %reduce_max3A_91 = vector.extract %reduce_max3A_90[15] : f32 from vector<16xf32>
        %reduce_sum3A = arith.constant true
        %reduce_sum3A_92 = vector.broadcast %reduce_sum3A : i1 to vector<16xi1>
        %reduce_sum3A_93 = tpu.scan <sum>, %add3A_88 masked %reduce_sum3A_92 : vector<16xf32>, vector<16xi1> -> vector<16xf32>
        %reduce_sum3A_94 = vector.extract %reduce_sum3A_93[15] : f32 from vector<16xf32>
        %broadcast_in_dim3A_95 = vector.broadcast %reduce_max3A_91 : f32 to vector<16xf32>
        %broadcast_in_dim3A_96 = vector.broadcast %reduce_sum3A_94 : f32 to vector<16xf32>
        %div3A = arith.divf %broadcast_in_dim3A_95, %broadcast_in_dim3A_96 : vector<16xf32>
        %mul3A_97 = arith.constant -2.000000e-01 : f32
        %mul3A_98 = vector.broadcast %mul3A_97 : f32 to vector<16xf32>
        %mul3A_99 = arith.mulf %mul3A_98, %div3A : vector<16xf32>
        %mul3A_100 = arith.constant -1.250000e-01 : f32
        %mul3A_101 = vector.broadcast %mul3A_100 : f32 to vector<16xf32>
        %mul3A_102 = arith.mulf %mul3A_101, %mul3A_99 : vector<16xf32>
        %add3A_103 = arith.constant 0.142857149 : f32
        %add3A_104 = vector.broadcast %add3A_103 : f32 to vector<16xf32>
        %add3A_105 = arith.addf %mul3A_102, %add3A_104 : vector<16xf32>
        %mul3A_106 = arith.mulf %add3A_105, %mul3A_99 : vector<16xf32>
        %add3A_107 = arith.constant -0.166666672 : f32
        %add3A_108 = vector.broadcast %add3A_107 : f32 to vector<16xf32>
        %add3A_109 = arith.addf %mul3A_106, %add3A_108 : vector<16xf32>
        %mul3A_110 = arith.mulf %add3A_109, %mul3A_99 : vector<16xf32>
        %add3A_111 = arith.constant 2.000000e-01 : f32
        %add3A_112 = vector.broadcast %add3A_111 : f32 to vector<16xf32>
        %add3A_113 = arith.addf %mul3A_110, %add3A_112 : vector<16xf32>
        %mul3A_114 = arith.mulf %add3A_113, %mul3A_99 : vector<16xf32>
        %add3A_115 = arith.constant -2.500000e-01 : f32
        %add3A_116 = vector.broadcast %add3A_115 : f32 to vector<16xf32>
        %add3A_117 = arith.addf %mul3A_114, %add3A_116 : vector<16xf32>
        %mul3A_118 = arith.mulf %add3A_117, %mul3A_99 : vector<16xf32>
        %add3A_119 = arith.constant 0.333333343 : f32
        %add3A_120 = vector.broadcast %add3A_119 : f32 to vector<16xf32>
        %add3A_121 = arith.addf %mul3A_118, %add3A_120 : vector<16xf32>
        %mul3A_122 = arith.mulf %add3A_121, %mul3A_99 : vector<16xf32>
        %add3A_123 = arith.constant -5.000000e-01 : f32
        %add3A_124 = vector.broadcast %add3A_123 : f32 to vector<16xf32>
        %add3A_125 = arith.addf %mul3A_122, %add3A_124 : vector<16xf32>
        %mul3A_126 = arith.mulf %add3A_125, %mul3A_99 : vector<16xf32>
        %add3A_127 = arith.constant 1.000000e+00 : f32
        %add3A_128 = vector.broadcast %add3A_127 : f32 to vector<16xf32>
        %add3A_129 = arith.addf %mul3A_126, %add3A_128 : vector<16xf32>
        %mul3A_130 = arith.mulf %add3A_129, %mul3A_99 : vector<16xf32>
        %add3A_131 = arith.constant 0.223143548 : f32
        %add3A_132 = vector.broadcast %add3A_131 : f32 to vector<16xf32>
        %add3A_133 = arith.addf %mul3A_130, %add3A_132 : vector<16xf32>
        %mul3A_134 = arith.mulf %add3A_133, %add3A_133 : vector<16xf32>
        %add3A_135 = arith.addf %scan3A_77, %mul3A_134 : vector<16xf32>
        scf.yield %add3A_135 : vector<16xf32>
      }
      %scan3A_59 = arith.constant 8 : i32
      %add3A_60 = arith.constant 2 : i32
      %add3A_61 = arith.addi %mul3A_39, %add3A_60 : i32
      %lt3A = arith.constant 28 : i32
      %lt3A_62 = arith.cmpi slt, %add3A_61, %lt3A : i32
      %convert_element_type3A = arith.extui %lt3A_62 : i1 to i32
      %cond3A = arith.constant 0 : i32
      %cond3A_63 = arith.cmpi ne, %convert_element_type3A, %cond3A : i32
      scf.if %cond3A_63 {
        %add3A_76 = arith.constant 2 : i32
        %add3A_77 = arith.addi %mul3A_39, %add3A_76 : i32
        %mul3A_78 = arith.constant 8 : i32
        %mul3A_79 = arith.muli %add3A_77, %mul3A_78 : i32
        %add3A_80 = arith.addi %add3A_4, %mul3A_79 : i32
        %dma_start3A_81 = arith.constant 0 : i32
        %dma_start3A_82 = tpu.memref_slice %arg2[%add3A_80, %dma_start3A_81] : memref<16384x4096xf32, #tpu.memory_space<hbm>> -> memref<8x4096xf32, #tpu.memory_space<hbm>>
        %dma_start3A_83 = arith.constant 0 : i32
        %dma_start3A_84 = tpu.memref_slice %arg2[%add3A_80, %dma_start3A_83] : memref<16384x4096xf32, #tpu.memory_space<hbm>> -> memref<8x4096xf32, #tpu.memory_space<hbm>>
        tpu.enqueue_dma source(%dma_start3A_84 : memref<8x4096xf32, #tpu.memory_space<hbm>>) target(%arg5 : memref<8x4096xf32, #tpu.memory_space<vmem>>) target_semaphore(%arg9 : memref<!tpu.dma_semaphore, #tpu.memory_space<semaphore_mem>>)
      } else {
      }
      %dma_wait3A_64 = arith.constant 0 : i32
      %dma_wait3A_65 = tpu.memref_slice %arg2[%add3A_4, %dma_wait3A_64] : memref<16384x4096xf32, #tpu.memory_space<hbm>> -> memref<8x4096xf32, #tpu.memory_space<hbm>>
      %dma_wait3A_66 = arith.constant 0 : i32
      %dma_wait3A_67 = tpu.memref_slice %arg2[%add3A_4, %dma_wait3A_66] : memref<16384x4096xf32, #tpu.memory_space<hbm>> -> memref<8x4096xf32, #tpu.memory_space<hbm>>
      tpu.wait_dma2 semaphore(%arg10 : memref<!tpu.dma_semaphore, #tpu.memory_space<semaphore_mem>>) src(%dma_wait3A_67 : memref<8x4096xf32, #tpu.memory_space<hbm>>) dst(%arg6 : memref<8x4096xf32, #tpu.memory_space<vmem>>)
      %broadcast_in_dim3A_68 = arith.constant 0.000000e+00 : f32
      %broadcast_in_dim3A_69 = vector.broadcast %broadcast_in_dim3A_68 : f32 to vector<16xf32>
      %scan3A_70 = arith.constant 0 : i32
      %scan3A_71 = arith.constant 8 : i32
      %scan3A_72 = arith.addi %scan3A_70, %scan3A_71 : i32
      %scan3A_73 = arith.constant 1 : i32
      %scan3A_74 = scf.for %scan3A_76 = %scan3A_70 to %scan3A_72 step %scan3A_73 iter_args(%scan3A_77 = %scan3A_58) -> (vector<16xf32>)  : i32 {
        %scan3A_78 = arith.constant 0 : i32
        %scan3A_79 = arith.constant 16 : i32
        %scan3A_80 = arith.addi %scan3A_78, %scan3A_79 : i32
        %scan3A_81 = arith.constant 1 : i32
        %scan3A_82:8 = scf.for %scan3A_136 = %scan3A_78 to %scan3A_80 step %scan3A_81 iter_args(%scan3A_137 = %broadcast_in_dim3A_69, %scan3A_138 = %broadcast_in_dim3A_69, %scan3A_139 = %broadcast_in_dim3A_69, %scan3A_140 = %broadcast_in_dim3A_69, %scan3A_141 = %broadcast_in_dim3A_69, %scan3A_142 = %broadcast_in_dim3A_69, %scan3A_143 = %broadcast_in_dim3A_69, %scan3A_144 = %broadcast_in_dim3A_69) -> (vector<16xf32>, vector<16xf32>, vector<16xf32>, vector<16xf32>, vector<16xf32>, vector<16xf32>, vector<16xf32>, vector<16xf32>)  : i32 {
          %mul3A_145 = arith.constant 256 : i32
          %mul3A_146 = arith.muli %scan3A_136, %mul3A_145 : i32
          %add3A_147 = arith.constant 0 : i32
          %add3A_148 = arith.addi %mul3A_146, %add3A_147 : i32
          %get3A_149 = arith.index_cast %scan3A_76 : i32 to index
          %get3A_150 = arith.index_cast %add3A_148 : i32 to index
          %get3A_151 = tpu.vector_load %arg6[%get3A_149, %get3A_150] {strides = array<i32>} : memref<8x4096xf32, #tpu.memory_space<vmem>>, vector<16xf32>,
          %add3A_152 = arith.constant 16 : i32
          %add3A_153 = arith.addi %mul3A_146, %add3A_152 : i32
          %get3A_154 = arith.index_cast %scan3A_76 : i32 to index
          %get3A_155 = arith.index_cast %add3A_153 : i32 to index
          %get3A_156 = tpu.vector_load %arg6[%get3A_154, %get3A_155] {strides = array<i32>} : memref<8x4096xf32, #tpu.memory_space<vmem>>, vector<16xf32>,
          %add3A_157 = arith.constant 32 : i32
          %add3A_158 = arith.addi %mul3A_146, %add3A_157 : i32
          %get3A_159 = arith.index_cast %scan3A_76 : i32 to index
          %get3A_160 = arith.index_cast %add3A_158 : i32 to index
          %get3A_161 = tpu.vector_load %arg6[%get3A_159, %get3A_160] {strides = array<i32>} : memref<8x4096xf32, #tpu.memory_space<vmem>>, vector<16xf32>,
          %add3A_162 = arith.constant 48 : i32
          %add3A_163 = arith.addi %mul3A_146, %add3A_162 : i32
          %get3A_164 = arith.index_cast %scan3A_76 : i32 to index
          %get3A_165 = arith.index_cast %add3A_163 : i32 to index
          %get3A_166 = tpu.vector_load %arg6[%get3A_164, %get3A_165] {strides = array<i32>} : memref<8x4096xf32, #tpu.memory_space<vmem>>, vector<16xf32>,
          %add3A_167 = arith.constant 64 : i32
          %add3A_168 = arith.addi %mul3A_146, %add3A_167 : i32
          %get3A_169 = arith.index_cast %scan3A_76 : i32 to index
          %get3A_170 = arith.index_cast %add3A_168 : i32 to index
          %get3A_171 = tpu.vector_load %arg6[%get3A_169, %get3A_170] {strides = array<i32>} : memref<8x4096xf32, #tpu.memory_space<vmem>>, vector<16xf32>,
          %add3A_172 = arith.constant 80 : i32
          %add3A_173 = arith.addi %mul3A_146, %add3A_172 : i32
          %get3A_174 = arith.index_cast %scan3A_76 : i32 to index
          %get3A_175 = arith.index_cast %add3A_173 : i32 to index
          %get3A_176 = tpu.vector_load %arg6[%get3A_174, %get3A_175] {strides = array<i32>} : memref<8x4096xf32, #tpu.memory_space<vmem>>, vector<16xf32>,
          %add3A_177 = arith.constant 96 : i32
          %add3A_178 = arith.addi %mul3A_146, %add3A_177 : i32
          %get3A_179 = arith.index_cast %scan3A_76 : i32 to index
          %get3A_180 = arith.index_cast %add3A_178 : i32 to index
          %get3A_181 = tpu.vector_load %arg6[%get3A_179, %get3A_180] {strides = array<i32>} : memref<8x4096xf32, #tpu.memory_space<vmem>>, vector<16xf32>,
          %add3A_182 = arith.constant 112 : i32
          %add3A_183 = arith.addi %mul3A_146, %add3A_182 : i32
          %get3A_184 = arith.index_cast %scan3A_76 : i32 to index
          %get3A_185 = arith.index_cast %add3A_183 : i32 to index
          %get3A_186 = tpu.vector_load %arg6[%get3A_184, %get3A_185] {strides = array<i32>} : memref<8x4096xf32, #tpu.memory_space<vmem>>, vector<16xf32>,
          %add3A_187 = arith.constant 128 : i32
          %add3A_188 = arith.addi %mul3A_146, %add3A_187 : i32
          %get3A_189 = arith.index_cast %scan3A_76 : i32 to index
          %get3A_190 = arith.index_cast %add3A_188 : i32 to index
          %get3A_191 = tpu.vector_load %arg6[%get3A_189, %get3A_190] {strides = array<i32>} : memref<8x4096xf32, #tpu.memory_space<vmem>>, vector<16xf32>,
          %add3A_192 = arith.constant 144 : i32
          %add3A_193 = arith.addi %mul3A_146, %add3A_192 : i32
          %get3A_194 = arith.index_cast %scan3A_76 : i32 to index
          %get3A_195 = arith.index_cast %add3A_193 : i32 to index
          %get3A_196 = tpu.vector_load %arg6[%get3A_194, %get3A_195] {strides = array<i32>} : memref<8x4096xf32, #tpu.memory_space<vmem>>, vector<16xf32>,
          %add3A_197 = arith.constant 160 : i32
          %add3A_198 = arith.addi %mul3A_146, %add3A_197 : i32
          %get3A_199 = arith.index_cast %scan3A_76 : i32 to index
          %get3A_200 = arith.index_cast %add3A_198 : i32 to index
          %get3A_201 = tpu.vector_load %arg6[%get3A_199, %get3A_200] {strides = array<i32>} : memref<8x4096xf32, #tpu.memory_space<vmem>>, vector<16xf32>,
          %add3A_202 = arith.constant 176 : i32
          %add3A_203 = arith.addi %mul3A_146, %add3A_202 : i32
          %get3A_204 = arith.index_cast %scan3A_76 : i32 to index
          %get3A_205 = arith.index_cast %add3A_203 : i32 to index
          %get3A_206 = tpu.vector_load %arg6[%get3A_204, %get3A_205] {strides = array<i32>} : memref<8x4096xf32, #tpu.memory_space<vmem>>, vector<16xf32>,
          %add3A_207 = arith.constant 192 : i32
          %add3A_208 = arith.addi %mul3A_146, %add3A_207 : i32
          %get3A_209 = arith.index_cast %scan3A_76 : i32 to index
          %get3A_210 = arith.index_cast %add3A_208 : i32 to index
          %get3A_211 = tpu.vector_load %arg6[%get3A_209, %get3A_210] {strides = array<i32>} : memref<8x4096xf32, #tpu.memory_space<vmem>>, vector<16xf32>,
          %add3A_212 = arith.constant 208 : i32
          %add3A_213 = arith.addi %mul3A_146, %add3A_212 : i32
          %get3A_214 = arith.index_cast %scan3A_76 : i32 to index
          %get3A_215 = arith.index_cast %add3A_213 : i32 to index
          %get3A_216 = tpu.vector_load %arg6[%get3A_214, %get3A_215] {strides = array<i32>} : memref<8x4096xf32, #tpu.memory_space<vmem>>, vector<16xf32>,
          %add3A_217 = arith.constant 224 : i32
          %add3A_218 = arith.addi %mul3A_146, %add3A_217 : i32
          %get3A_219 = arith.index_cast %scan3A_76 : i32 to index
          %get3A_220 = arith.index_cast %add3A_218 : i32 to index
          %get3A_221 = tpu.vector_load %arg6[%get3A_219, %get3A_220] {strides = array<i32>} : memref<8x4096xf32, #tpu.memory_space<vmem>>, vector<16xf32>,
          %add3A_222 = arith.constant 240 : i32
          %add3A_223 = arith.addi %mul3A_146, %add3A_222 : i32
          %get3A_224 = arith.index_cast %scan3A_76 : i32 to index
          %get3A_225 = arith.index_cast %add3A_223 : i32 to index
          %get3A_226 = tpu.vector_load %arg6[%get3A_224, %get3A_225] {strides = array<i32>} : memref<8x4096xf32, #tpu.memory_space<vmem>>, vector<16xf32>,
          %exp3A = math.exp %get3A_151 : vector<16xf32>
          %exp3A_227 = math.exp %get3A_156 : vector<16xf32>
          %exp3A_228 = math.exp %get3A_161 : vector<16xf32>
          %exp3A_229 = math.exp %get3A_166 : vector<16xf32>
          %exp3A_230 = math.exp %get3A_171 : vector<16xf32>
          %exp3A_231 = math.exp %get3A_176 : vector<16xf32>
          %exp3A_232 = math.exp %get3A_181 : vector<16xf32>
          %exp3A_233 = math.exp %get3A_186 : vector<16xf32>
          %exp3A_234 = math.exp %get3A_191 : vector<16xf32>
          %exp3A_235 = math.exp %get3A_196 : vector<16xf32>
          %exp3A_236 = math.exp %get3A_201 : vector<16xf32>
          %exp3A_237 = math.exp %get3A_206 : vector<16xf32>
          %exp3A_238 = math.exp %get3A_211 : vector<16xf32>
          %exp3A_239 = math.exp %get3A_216 : vector<16xf32>
          %exp3A_240 = math.exp %get3A_221 : vector<16xf32>
          %exp3A_241 = math.exp %get3A_226 : vector<16xf32>
          %max3A_242 = arith.maximumf %scan3A_137, %exp3A : vector<16xf32>
          %add3A_243 = arith.addf %scan3A_141, %exp3A : vector<16xf32>
          %max3A_244 = arith.maximumf %scan3A_138, %exp3A_227 : vector<16xf32>
          %add3A_245 = arith.addf %scan3A_142, %exp3A_227 : vector<16xf32>
          %max3A_246 = arith.maximumf %scan3A_139, %exp3A_228 : vector<16xf32>
          %add3A_247 = arith.addf %scan3A_143, %exp3A_228 : vector<16xf32>
          %max3A_248 = arith.maximumf %scan3A_140, %exp3A_229 : vector<16xf32>
          %add3A_249 = arith.addf %scan3A_144, %exp3A_229 : vector<16xf32>
          %max3A_250 = arith.maximumf %max3A_242, %exp3A_230 : vector<16xf32>
          %add3A_251 = arith.addf %add3A_243, %exp3A_230 : vector<16xf32>
          %max3A_252 = arith.maximumf %max3A_244, %exp3A_231 : vector<16xf32>
          %add3A_253 = arith.addf %add3A_245, %exp3A_231 : vector<16xf32>
          %max3A_254 = arith.maximumf %max3A_246, %exp3A_232 : vector<16xf32>
          %add3A_255 = arith.addf %add3A_247, %exp3A_232 : vector<16xf32>
          %max3A_256 = arith.maximumf %max3A_248, %exp3A_233 : vector<16xf32>
          %add3A_257 = arith.addf %add3A_249, %exp3A_233 : vector<16xf32>
          %max3A_258 = arith.maximumf %max3A_250, %exp3A_234 : vector<16xf32>
          %add3A_259 = arith.addf %add3A_251, %exp3A_234 : vector<16xf32>
          %max3A_260 = arith.maximumf %max3A_252, %exp3A_235 : vector<16xf32>
          %add3A_261 = arith.addf %add3A_253, %exp3A_235 : vector<16xf32>
          %max3A_262 = arith.maximumf %max3A_254, %exp3A_236 : vector<16xf32>
          %add3A_263 = arith.addf %add3A_255, %exp3A_236 : vector<16xf32>
          %max3A_264 = arith.maximumf %max3A_256, %exp3A_237 : vector<16xf32>
          %add3A_265 = arith.addf %add3A_257, %exp3A_237 : vector<16xf32>
          %max3A_266 = arith.maximumf %max3A_258, %exp3A_238 : vector<16xf32>
          %add3A_267 = arith.addf %add3A_259, %exp3A_238 : vector<16xf32>
          %max3A_268 = arith.maximumf %max3A_260, %exp3A_239 : vector<16xf32>
          %add3A_269 = arith.addf %add3A_261, %exp3A_239 : vector<16xf32>
          %max3A_270 = arith.maximumf %max3A_262, %exp3A_240 : vector<16xf32>
          %add3A_271 = arith.addf %add3A_263, %exp3A_240 : vector<16xf32>
          %max3A_272 = arith.maximumf %max3A_264, %exp3A_241 : vector<16xf32>
          %add3A_273 = arith.addf %add3A_265, %exp3A_241 : vector<16xf32>
          scf.yield %max3A_266, %max3A_268, %max3A_270, %max3A_272, %add3A_267, %add3A_269, %add3A_271, %add3A_273 : vector<16xf32>, vector<16xf32>, vector<16xf32>, vector<16xf32>, vector<16xf32>, vector<16xf32>, vector<16xf32>, vector<16xf32>
        }
        %scan3A_83 = arith.constant 16 : i32
        %max3A = arith.maximumf %scan3A_82#0, %scan3A_82#1 : vector<16xf32>
        %max3A_84 = arith.maximumf %scan3A_82#2, %scan3A_82#3 : vector<16xf32>
        %add3A_85 = arith.addf %scan3A_82#4, %scan3A_82#5 : vector<16xf32>
        %add3A_86 = arith.addf %scan3A_82#6, %scan3A_82#7 : vector<16xf32>
        %max3A_87 = arith.maximumf %max3A, %max3A_84 : vector<16xf32>
        %add3A_88 = arith.addf %add3A_85, %add3A_86 : vector<16xf32>
        %reduce_max3A = arith.constant true
        %reduce_max3A_89 = vector.broadcast %reduce_max3A : i1 to vector<16xi1>
        %reduce_max3A_90 = tpu.scan <max>, %max3A_87 masked %reduce_max3A_89 : vector<16xf32>, vector<16xi1> -> vector<16xf32>
        %reduce_max3A_91 = vector.extract %reduce_max3A_90[15] : f32 from vector<16xf32>
        %reduce_sum3A = arith.constant true
        %reduce_sum3A_92 = vector.broadcast %reduce_sum3A : i1 to vector<16xi1>
        %reduce_sum3A_93 = tpu.scan <sum>, %add3A_88 masked %reduce_sum3A_92 : vector<16xf32>, vector<16xi1> -> vector<16xf32>
        %reduce_sum3A_94 = vector.extract %reduce_sum3A_93[15] : f32 from vector<16xf32>
        %broadcast_in_dim3A_95 = vector.broadcast %reduce_max3A_91 : f32 to vector<16xf32>
        %broadcast_in_dim3A_96 = vector.broadcast %reduce_sum3A_94 : f32 to vector<16xf32>
        %div3A = arith.divf %broadcast_in_dim3A_95, %broadcast_in_dim3A_96 : vector<16xf32>
        %mul3A_97 = arith.constant -2.000000e-01 : f32
        %mul3A_98 = vector.broadcast %mul3A_97 : f32 to vector<16xf32>
        %mul3A_99 = arith.mulf %mul3A_98, %div3A : vector<16xf32>
        %mul3A_100 = arith.constant -1.250000e-01 : f32
        %mul3A_101 = vector.broadcast %mul3A_100 : f32 to vector<16xf32>
        %mul3A_102 = arith.mulf %mul3A_101, %mul3A_99 : vector<16xf32>
        %add3A_103 = arith.constant 0.142857149 : f32
        %add3A_104 = vector.broadcast %add3A_103 : f32 to vector<16xf32>
        %add3A_105 = arith.addf %mul3A_102, %add3A_104 : vector<16xf32>
        %mul3A_106 = arith.mulf %add3A_105, %mul3A_99 : vector<16xf32>
        %add3A_107 = arith.constant -0.166666672 : f32
        %add3A_108 = vector.broadcast %add3A_107 : f32 to vector<16xf32>
        %add3A_109 = arith.addf %mul3A_106, %add3A_108 : vector<16xf32>
        %mul3A_110 = arith.mulf %add3A_109, %mul3A_99 : vector<16xf32>
        %add3A_111 = arith.constant 2.000000e-01 : f32
        %add3A_112 = vector.broadcast %add3A_111 : f32 to vector<16xf32>
        %add3A_113 = arith.addf %mul3A_110, %add3A_112 : vector<16xf32>
        %mul3A_114 = arith.mulf %add3A_113, %mul3A_99 : vector<16xf32>
        %add3A_115 = arith.constant -2.500000e-01 : f32
        %add3A_116 = vector.broadcast %add3A_115 : f32 to vector<16xf32>
        %add3A_117 = arith.addf %mul3A_114, %add3A_116 : vector<16xf32>
        %mul3A_118 = arith.mulf %add3A_117, %mul3A_99 : vector<16xf32>
        %add3A_119 = arith.constant 0.333333343 : f32
        %add3A_120 = vector.broadcast %add3A_119 : f32 to vector<16xf32>
        %add3A_121 = arith.addf %mul3A_118, %add3A_120 : vector<16xf32>
        %mul3A_122 = arith.mulf %add3A_121, %mul3A_99 : vector<16xf32>
        %add3A_123 = arith.constant -5.000000e-01 : f32
        %add3A_124 = vector.broadcast %add3A_123 : f32 to vector<16xf32>
        %add3A_125 = arith.addf %mul3A_122, %add3A_124 : vector<16xf32>
        %mul3A_126 = arith.mulf %add3A_125, %mul3A_99 : vector<16xf32>
        %add3A_127 = arith.constant 1.000000e+00 : f32
        %add3A_128 = vector.broadcast %add3A_127 : f32 to vector<16xf32>
        %add3A_129 = arith.addf %mul3A_126, %add3A_128 : vector<16xf32>
        %mul3A_130 = arith.mulf %add3A_129, %mul3A_99 : vector<16xf32>
        %add3A_131 = arith.constant 0.223143548 : f32
        %add3A_132 = vector.broadcast %add3A_131 : f32 to vector<16xf32>
        %add3A_133 = arith.addf %mul3A_130, %add3A_132 : vector<16xf32>
        %mul3A_134 = arith.mulf %add3A_133, %add3A_133 : vector<16xf32>
        %add3A_135 = arith.addf %scan3A_77, %mul3A_134 : vector<16xf32>
        scf.yield %add3A_135 : vector<16xf32>
      }
      %scan3A_75 = arith.constant 8 : i32
      scf.yield %scan3A_74 : vector<16xf32>
    }
    %scan3A_15 = arith.constant 14 : i32
    "tpu.region"() ({
      %run_scoped3A = tpu.sem_alloc : memref<!tpu.dma_semaphore, #tpu.memory_space<semaphore_mem>>
      tpu.enqueue_dma source(%arg3 : memref<16xf32, #tpu.memory_space<hbm>>) target(%arg7 : memref<16xf32, #tpu.memory_space<vmem>>) target_semaphore(%run_scoped3A : memref<!tpu.dma_semaphore, #tpu.memory_space<semaphore_mem>>)
      tpu.wait_dma2 semaphore(%run_scoped3A : memref<!tpu.dma_semaphore, #tpu.memory_space<semaphore_mem>>) src(%arg3 : memref<16xf32, #tpu.memory_space<hbm>>) dst(%arg7 : memref<16xf32, #tpu.memory_space<vmem>>)
      tpu.yield
    }) : () -> ()
    %get3A = arith.constant 0 : index
    %get3A_16 = tpu.vector_load %arg7[%get3A] {strides = array<i32>} : memref<16xf32, #tpu.memory_space<vmem>>, vector<16xf32>,
    %slice3A = vector.extract_strided_slice %get3A_16 {offsets = [0], sizes = [1], strides = [1]} : vector<16xf32> to vector<1xf32>
    %squeeze3A = vector.extract %slice3A[0] : f32 from vector<1xf32>
    %slice3A_17 = vector.extract_strided_slice %get3A_16 {offsets = [1], sizes = [1], strides = [1]} : vector<16xf32> to vector<1xf32>
    %squeeze3A_18 = vector.extract %slice3A_17[0] : f32 from vector<1xf32>
    %slice3A_19 = vector.extract_strided_slice %get3A_16 {offsets = [2], sizes = [1], strides = [1]} : vector<16xf32> to vector<1xf32>
    %squeeze3A_20 = vector.extract %slice3A_19[0] : f32 from vector<1xf32>
    %gt3A = arith.cmpf ogt, %squeeze3A_18, %squeeze3A : f32
    %eq3A = arith.constant 1.000000e+00 : f32
    %eq3A_21 = arith.cmpf oeq, %squeeze3A_20, %eq3A : f32
    %and3A = arith.andi %gt3A, %eq3A_21 : i1
    %jit3A = arith.constant 0.000000e+00 : f32
    %jit3A_22 = arith.constant 1.000000e+00 : f32
    %select_n3A = arith.select %and3A, %jit3A, %jit3A_22 : f32
    %slice3A_23 = vector.extract_strided_slice %scan3A_14 {offsets = [0], sizes = [1], strides = [1]} : vector<16xf32> to vector<1xf32>
    %squeeze3A_24 = vector.extract %slice3A_23[0] : f32 from vector<1xf32>
    %mul3A_25 = arith.mulf %squeeze3A_24, %select_n3A : f32
    %mul3A_26 = arith.constant 6.10351563E-5 : f32
    %mul3A_27 = arith.mulf %mul3A_25, %mul3A_26 : f32
    %iota3A = tpu.iota {dimensions = array<i32: 0>} : vector<16xi32>
    %eq3A_28 = arith.constant 0 : i32
    %eq3A_29 = vector.broadcast %eq3A_28 : i32 to vector<16xi32>
    %eq3A_30 = arith.cmpi eq, %iota3A, %eq3A_29 : vector<16xi32>
    %broadcast_in_dim3A_31 = vector.broadcast %mul3A_27 : f32 to vector<16xf32>
    %broadcast_in_dim3A_32 = arith.constant 0.000000e+00 : f32
    %broadcast_in_dim3A_33 = vector.broadcast %broadcast_in_dim3A_32 : f32 to vector<16xf32>
    %select_n3A_34 = arith.select %eq3A_30, %broadcast_in_dim3A_31, %broadcast_in_dim3A_33 : vector<16xi1>, vector<16xf32>
    %swap3A = arith.constant 0 : index
    %swap3A_35 = tpu.vector_load %arg8[%swap3A] {strides = array<i32>} : memref<16xf32, #tpu.memory_space<vmem>>, vector<16xf32>,
    tpu.vector_store %arg8[%swap3A], %select_n3A_34 {strides = array<i32>} : memref<16xf32, #tpu.memory_space<vmem>>, vector<16xf32>,
    "tpu.region"() ({
      %run_scoped3A = tpu.sem_alloc : memref<!tpu.dma_semaphore, #tpu.memory_space<semaphore_mem>>
      %dma_start3A_36 = arith.constant 0 : i32
      %dma_start3A_37 = tpu.memref_slice %arg4[%add3A, %dma_start3A_36] : memref<32x16xf32, #tpu.memory_space<hbm>> -> memref<1x16xf32, #tpu.memory_space<hbm>>
      %dma_start3A_38 = tpu.memref_squeeze %dma_start3A_37 : memref<1x16xf32, #tpu.memory_space<hbm>> -> memref<16xf32, #tpu.memory_space<hbm>>
      %dma_start3A_39 = arith.constant 0 : i32
      %dma_start3A_40 = tpu.memref_slice %arg4[%add3A, %dma_start3A_39] : memref<32x16xf32, #tpu.memory_space<hbm>> -> memref<1x16xf32, #tpu.memory_space<hbm>>
      %dma_start3A_41 = tpu.memref_squeeze %dma_start3A_40 : memref<1x16xf32, #tpu.memory_space<hbm>> -> memref<16xf32, #tpu.memory_space<hbm>>
      tpu.enqueue_dma source(%arg8 : memref<16xf32, #tpu.memory_space<vmem>>) target(%dma_start3A_41 : memref<16xf32, #tpu.memory_space<hbm>>) target_semaphore(%run_scoped3A : memref<!tpu.dma_semaphore, #tpu.memory_space<semaphore_mem>>)
      %dma_wait3A = arith.constant 0 : i32
      %dma_wait3A_42 = tpu.memref_slice %arg4[%add3A, %dma_wait3A] : memref<32x16xf32, #tpu.memory_space<hbm>> -> memref<1x16xf32, #tpu.memory_space<hbm>>
      %dma_wait3A_43 = tpu.memref_squeeze %dma_wait3A_42 : memref<1x16xf32, #tpu.memory_space<hbm>> -> memref<16xf32, #tpu.memory_space<hbm>>
      %dma_wait3A_44 = arith.constant 0 : i32
      %dma_wait3A_45 = tpu.memref_slice %arg4[%add3A, %dma_wait3A_44] : memref<32x16xf32, #tpu.memory_space<hbm>> -> memref<1x16xf32, #tpu.memory_space<hbm>>
      %dma_wait3A_46 = tpu.memref_squeeze %dma_wait3A_45 : memref<1x16xf32, #tpu.memory_space<hbm>> -> memref<16xf32, #tpu.memory_space<hbm>>
      tpu.wait_dma2 semaphore(%run_scoped3A : memref<!tpu.dma_semaphore, #tpu.memory_space<semaphore_mem>>) src(%arg8 : memref<16xf32, #tpu.memory_space<vmem>>) dst(%dma_wait3A_46 : memref<16xf32, #tpu.memory_space<hbm>>)
      tpu.yield
    }) : () -> ()
    return
  }
}

module attributes {stable_mosaic.version = 14 : i64} {
  func.func @_tc_body(%arg0: i32, %arg1: memref<1x2xf32, #tpu.memory_space<smem>>, %arg2: memref<1xi32, #tpu.memory_space<smem>>, %arg3: memref<512x4096xf32, #tpu.memory_space<vmem>>, %arg4: memref<1x1xf32, #tpu.memory_space<smem>>) attributes {dimension_semantics = [#tpu.dimension_semantics<arbitrary>], iteration_bounds = array<i64: 18>, scalar_prefetch = 0 : i64, scratch_operands = 0 : i64, tpu.core_type = #tpu.core_type<tc>, window_params = [{transform_indices = @transform_0, window_bounds = array<i64: 1, 2>}, {transform_indices = @transform_1, window_bounds = array<i64: 1>}, {transform_indices = @transform_2, window_bounds = array<i64: 512, 4096>}, {transform_indices = @transform_3, window_bounds = array<i64: 1, 1>}]} {
    %get3A = arith.constant 0 : index
    %get3A_0 = arith.constant 0 : index
    %get3A_1 = vector.load %arg3[%get3A, %get3A_0] : memref<512x4096xf32, #tpu.memory_space<vmem>>, vector<512x4096xf32>
    %reduce_max3A = arith.constant dense<0xFF800000> : vector<512xf32>
    %reduce_max3A_2 = vector.multi_reduction <maximumf>, %get3A_1, %reduce_max3A [1] : vector<512x4096xf32> to vector<512xf32>
    %broadcast_in_dim3A = vector.shape_cast %reduce_max3A_2 : vector<512xf32> to vector<512x1xf32>
    %sub3A = vector.broadcast %broadcast_in_dim3A : vector<512x1xf32> to vector<512x4096xf32>
    %sub3A_3 = arith.subf %get3A_1, %sub3A : vector<512x4096xf32>
    %exp3A = math.exp %sub3A_3 : vector<512x4096xf32>
    %reduce_sum3A = arith.constant dense<0.000000e+00> : vector<512xf32>
    %reduce_sum3A_4 = vector.multi_reduction <add>, %exp3A, %reduce_sum3A [1] : vector<512x4096xf32> to vector<512xf32>
    %div3A = arith.constant 1.000000e+00 : f32
    %div3A_5 = vector.broadcast %div3A : f32 to vector<512xf32>
    %div3A_6 = arith.divf %div3A_5, %reduce_sum3A_4 : vector<512xf32>
    %mul3A = arith.constant -2.000000e-01 : f32
    %mul3A_7 = vector.broadcast %mul3A : f32 to vector<512xf32>
    %mul3A_8 = arith.mulf %mul3A_7, %div3A_6 : vector<512xf32>
    %log1p3A = math.log1p %mul3A_8 : vector<512xf32>
    %add3A = arith.constant 0.223143548 : f32
    %add3A_9 = vector.broadcast %add3A : f32 to vector<512xf32>
    %add3A_10 = arith.addf %log1p3A, %add3A_9 : vector<512xf32>
    %mul3A_11 = arith.mulf %add3A_10, %add3A_10 : vector<512xf32>
    %reduce_sum3A_12 = vector.shape_cast %mul3A_11 : vector<512xf32> to vector<1x512xf32>
    %reduce_sum3A_13 = arith.constant dense<0.000000e+00> : vector<1xf32>
    %reduce_sum3A_14 = vector.multi_reduction <add>, %reduce_sum3A_12, %reduce_sum3A_13 [1] : vector<1x512xf32> to vector<1xf32>
    %reduce_sum3A_15 = vector.shape_cast %reduce_sum3A_14 : vector<1xf32> to vector<1x1xf32>
    %reduce_sum3A_16 = vector.extract %reduce_sum3A_15[0, 0] : f32 from vector<1x1xf32>
    %eq3A = arith.constant 0 : i32
    %eq3A_17 = arith.cmpi eq, %arg0, %eq3A : i32
    %convert_element_type3A = arith.extui %eq3A_17 : i1 to i32
    %cond3A = arith.constant 0 : i32
    %cond3A_18 = arith.cmpi ne, %convert_element_type3A, %cond3A : i32
    scf.if %cond3A_18 {
      %swap3A_30 = arith.constant 0.000000e+00 : f32
      %swap3A_31 = arith.constant 0 : index
      %swap3A_32 = arith.constant 0 : index
      %swap3A_33 = memref.load %arg4[%swap3A_31, %swap3A_32] : memref<1x1xf32, #tpu.memory_space<smem>>
      memref.store %swap3A_30, %arg4[%swap3A_31, %swap3A_32] : memref<1x1xf32, #tpu.memory_space<smem>>
    } else {
    }
    %get3A_19 = arith.constant 0 : index
    %get3A_20 = arith.constant 0 : index
    %get3A_21 = memref.load %arg4[%get3A_19, %get3A_20] : memref<1x1xf32, #tpu.memory_space<smem>>
    %add3A_22 = arith.addf %get3A_21, %reduce_sum3A_16 : f32
    %swap3A = arith.constant 0 : index
    %swap3A_23 = arith.constant 0 : index
    %swap3A_24 = memref.load %arg4[%swap3A, %swap3A_23] : memref<1x1xf32, #tpu.memory_space<smem>>
    memref.store %add3A_22, %arg4[%swap3A, %swap3A_23] : memref<1x1xf32, #tpu.memory_space<smem>>
    %eq3A_25 = arith.constant 17 : i32
    %eq3A_26 = arith.cmpi eq, %arg0, %eq3A_25 : i32
    %convert_element_type3A_27 = arith.extui %eq3A_26 : i1 to i32
    %cond3A_28 = arith.constant 0 : i32
    %cond3A_29 = arith.cmpi ne, %convert_element_type3A_27, %cond3A_28 : i32
    scf.if %cond3A_29 {
      %get3A_30 = arith.constant 0 : index
      %get3A_31 = arith.constant 0 : index
      %get3A_32 = memref.load %arg1[%get3A_30, %get3A_31] : memref<1x2xf32, #tpu.memory_space<smem>>
      %get3A_33 = arith.constant 0 : index
      %get3A_34 = arith.constant 1 : index
      %get3A_35 = memref.load %arg1[%get3A_33, %get3A_34] : memref<1x2xf32, #tpu.memory_space<smem>>
      %gt3A = arith.cmpf ogt, %get3A_35, %get3A_32 : f32
      %get3A_36 = arith.constant 0 : index
      %get3A_37 = memref.load %arg2[%get3A_36] : memref<1xi32, #tpu.memory_space<smem>>
      %eq3A_38 = arith.constant 1 : i32
      %eq3A_39 = arith.cmpi eq, %get3A_37, %eq3A_38 : i32
      %and3A = arith.andi %gt3A, %eq3A_39 : i1
      %get3A_40 = arith.constant 0 : index
      %get3A_41 = arith.constant 0 : index
      %get3A_42 = memref.load %arg4[%get3A_40, %get3A_41] : memref<1x1xf32, #tpu.memory_space<smem>>
      %mul3A_43 = arith.constant 6.10351563E-5 : f32
      %mul3A_44 = arith.mulf %get3A_42, %mul3A_43 : f32
      %jit3A = arith.constant 0.000000e+00 : f32
      %select_n3A = arith.select %and3A, %jit3A, %mul3A_44 : f32
      %swap3A_45 = arith.constant 0 : index
      %swap3A_46 = arith.constant 0 : index
      %swap3A_47 = memref.load %arg4[%swap3A_45, %swap3A_46] : memref<1x1xf32, #tpu.memory_space<smem>>
      memref.store %select_n3A, %arg4[%swap3A_45, %swap3A_46] : memref<1x1xf32, #tpu.memory_space<smem>>
    } else {
    }
    return
  }
  func.func @transform_0(%arg0: i32) -> (i32, i32) {
    %c0_i32 = arith.constant 0 : i32
    %c0_i32_0 = arith.constant 0 : i32
    %c0_i32_1 = arith.constant 0 : i32
    return %c0_i32, %c0_i32_0 : i32, i32
  }
  func.func @transform_1(%arg0: i32) -> i32 {
    %c0_i32 = arith.constant 0 : i32
    %c0_i32_0 = arith.constant 0 : i32
    return %c0_i32 : i32
  }
  func.func @transform_2(%arg0: i32) -> (i32, i32) {
    %c0_i32 = arith.constant 0 : i32
    %c0_i32_0 = arith.constant 0 : i32
    return %arg0, %c0_i32 : i32, i32
  }
  func.func @transform_3(%arg0: i32) -> (i32, i32) {
    %c0_i32 = arith.constant 0 : i32
    %c0_i32_0 = arith.constant 0 : i32
    %c0_i32_1 = arith.constant 0 : i32
    return %c0_i32, %c0_i32_0 : i32, i32
  }
}

</mosaic_0001>

<sc_bundles>
// kernel: kernel.4.cloned.1.call-start
scs
__scs_entry_jumppad:
0x0: {  	(pc) =	sbr.rel $0x88, $3  }
0x1: {  	(tag) =	ssettag $0x0;
	lr =	simm.s32 $0x1  }
0x2: {  	[smem:$0x3F9E] =	sst lr;
	_ =	strace $0xD0000000  }
0x3: {  	_ = 	snop  }
0x4: {  	_ = 	snop  }
0x5: {  	_ = 	snop  }
0x6: {  	_ = 	snop  }
0x7: {  	_ = 	snop  }
__scs_overlays_trampoline_lowered:
0x8: {  	[smem:$0x3FAD] =	sst s0  }
0x9: {  	[smem:$0x3FAE] =	sst s1  }
0xa: {  	[smem:$0x3FAF] =	sst s2  }
0xb: {  	[smem:$0x3FB0] =	sst s3  }
0xc: {  	[smem:$0x3FB1] =	sst s4  }
0xd: {  	[smem:$0x3FB2] =	sst s5  }
0xe: {  	[smem:$0x3FB3] =	sst s6  }
0xf: {  	[smem:$0x3FB4] =	sst s7  }
0x10: {  	[smem:$0x3FB5] =	sst s8  }
0x11: {  	[smem:$0x3FB6] =	sst s9;
	s0 =	simm.s32 @!p0 $0x0  }
0x12: {  	s1 =	sld [smem:$0x3F9C];
	s0 =	simm.s32 @p0 $0x1  }
0x13: {  	[smem:$0x3FB7] =	sst s0;
	s0 =	simm.s32 @!p1 $0x0  }
0x14: {  	s2 =	sld [smem:$0x3F9B];
	s0 =	simm.s32 @p1 $0x1  }
0x15: {  	[smem:$0x3FB8] =	sst s0;
	s0 =	simm.s32 @!p2 $0x0  }
0x16: {  	s3 =	sld [smem:$0x3FDB];
	s0 =	simm.s32 @p2 $0x1  }
0x17: {  	s4 =	simm.s32 $0x1BF5;
	[smem:$0x3FBA] =	sst s0  }
0x18: {  	s0 =	sld [smem:$0x3F9D];
	_ =	swait.ge [sflag:s4], $0x0  }
0x19: {  	s7 =	sld [smem:$0x3F9E]  }
0x1a: {  	s8 =	sadd.s32 $0xFFFFE003, lr  }
0x1b: {  	s9 =	sadd.s32 $0xFFFFFEF7, lr;
	s5 =	simm.s32 $0xFFFFFFFF;
	p2 =	slt.u32 s8, $0xFFFFF086  }
0x1c: {  	p1 =	slt.u32 s9, $0xF7A;
	s5 =	simm.s32 @!p2 $0x0  }
0x1d: {  	s5 =	simm.s32 @p1 $0x1;
	p0 =	seq.s32 s7, s2  }
0x1e: {  	s7 =	smul.u32 @!p0 $0xF7A, s2;
	p2 =	seq.s32 @!p0 s5, $0x0  }
0x1f: {  	s9 =	smul.u32 $0xF7A, s1;
	s8 =	simm.s32 @!p0 $0x1BF5;
	p2 =	por !p2, p0  }
0x20: {  	[sflag:s8] =	ssyncset.s32 @!p0 $0xFFFFF086;
	s6 =	sadd.s32 @!p0 s3, s7;
	s7 =	simm.s32 @!p0 $0x108  }
0x21: {  	s3 =	sadd.s32 s3, s9;
	s6 =	sadd.s32 @!p0 $0x88, s6;
	s7 =	simm.s32 @p2 $0x1082  }
0x22: {  	[simem:s7], [sflag:s8] =	dma.local @!p0 [hbm:s6], $0xF7A  }
0x23: {  	s9 =	sor.u32 $0xD0000000, s2;
	s6 =	simm.s32 $0x108;
	_ =	swait.ge @!p0 [sflag:s8], $0x0  }
0x24: {  	s3 =	sadd.s32 $0x88, s3;
	s6 =	simm.s32 @!p1 $0x1082;
	[sflag:s4] =	ssyncset.s32 $0xFFFFF086  }
0x25: {  	[simem:s6], [sflag:s4] =	dma.local [hbm:s3], $0xF7A  }
0x26: {  	[smem:$0x3F9E] =	sst s1;
	(tag) =	ssettag s2;
	_ =	strace s9  }
0x27: {  	s1 =	sld [smem:$0x3FAE]  }
0x28: {  	s2 =	sld [smem:$0x3FAF]  }
0x29: {  	s4 =	sld [smem:$0x3FB1]  }
0x2a: {  	p0 =	seq.s32 s5, $0x0;
	s5 =	sld [smem:$0x3FB2]  }
0x2b: {  	s6 =	sld [smem:$0x3FB3]  }
0x2c: {  	s7 =	sld [smem:$0x3FB4]  }
0x2d: {  	s3 =	simm.s32 $0x108;
	s8 =	sld [smem:$0x3FB5]  }
0x2e: {  	s3 =	simm.s32 @!p0 $0x1082;
	s9 =	sld [smem:$0x3FB6]  }
0x2f: {  	lr =	sadd.s32 s0, s3;
	s0 =	sld [smem:$0x3FAD]  }
0x30: {  	s3 =	sld [smem:$0x3FB0]  }
0x31: {  	[smem:$0x3FB9] =	sst s10  }
0x32: {  	s10 =	sld [smem:$0x3FB7];
	_ =	sdelay $0x3  }
0x33: {  	p0 =	seq.s32 s10, $0x1;
	s10 =	sld [smem:$0x3FB9];
	_ =	sdelay $0x3  }
0x34: {  	[smem:$0x3FB9] =	sst s10  }
0x35: {  	s10 =	sld [smem:$0x3FB8];
	_ =	sdelay $0x3  }
0x36: {  	p1 =	seq.s32 s10, $0x1;
	s10 =	sld [smem:$0x3FB9];
	_ =	sdelay $0x3  }
0x37: {  	[smem:$0x3FB9] =	sst s10  }
0x38: {  	s10 =	sld [smem:$0x3FBA]  }
0x39: {  	_ = 	snop;
	(pc) =	sbr.ind lr, $3  }
0x3a: {  	_ = 	snop  }
0x3b: {  	_ = 	snop  }
0x3c: {  	p2 =	seq.s32 s10, $0x1;
	s10 =	sld [smem:$0x3FB9]  }
0x3d: {  	_ =	shalt  }
0x3e: {  	_ =	shalt  }
0x3f: {  	_ =	shalt  }
0x40: {  	_ =	shalt  }
0x41: {  	_ =	shalt  }
0x42: {  	_ =	shalt  }
0x43: {  	_ =	shalt  }
0x44: {  	_ =	shalt  }
0x45: {  	_ =	shalt  }
0x46: {  	_ =	shalt  }
0x47: {  	_ =	shalt  }
0x48: {  	_ =	shalt  }
0x49: {  	_ =	shalt  }
0x4a: {  	_ =	shalt  }
0x4b: {  	_ =	shalt  }
0x4c: {  	_ =	shalt  }
0x4d: {  	_ =	shalt  }
0x4e: {  	_ =	shalt  }
0x4f: {  	_ =	shalt  }
0x50: {  	_ =	shalt  }
0x51: {  	_ =	shalt  }
0x52: {  	_ =	shalt  }
0x53: {  	_ =	shalt  }
0x54: {  	_ =	shalt  }
0x55: {  	_ =	shalt  }
0x56: {  	_ =	shalt  }
0x57: {  	_ =	shalt  }
0x58: {  	_ =	shalt  }
0x59: {  	_ =	shalt  }
0x5a: {  	_ =	shalt  }
0x5b: {  	_ =	shalt  }
0x5c: {  	_ =	shalt  }
0x5d: {  	_ =	shalt  }
0x5e: {  	_ =	shalt  }
0x5f: {  	_ =	shalt  }
0x60: {  	_ =	shalt  }
0x61: {  	_ =	shalt  }
0x62: {  	_ =	shalt  }
0x63: {  	_ =	shalt  }
0x64: {  	_ =	shalt  }
0x65: {  	_ =	shalt  }
0x66: {  	_ =	shalt  }
0x67: {  	_ =	shalt  }
0x68: {  	_ =	shalt  }
0x69: {  	_ =	shalt  }
0x6a: {  	_ =	shalt  }
0x6b: {  	_ =	shalt  }
0x6c: {  	_ =	shalt  }
0x6d: {  	_ =	shalt  }
0x6e: {  	_ =	shalt  }
0x6f: {  	_ =	shalt  }
0x70: {  	_ =	shalt  }
0x71: {  	_ =	shalt  }
0x72: {  	_ =	shalt  }
0x73: {  	_ =	shalt  }
0x74: {  	_ =	shalt  }
0x75: {  	_ =	shalt  }
0x76: {  	_ =	shalt  }
0x77: {  	_ =	shalt  }
0x78: {  	_ =	shalt  }
0x79: {  	_ =	shalt  }
0x7a: {  	_ =	shalt  }
0x7b: {  	_ =	shalt  }
0x7c: {  	_ =	shalt  }
0x7d: {  	_ =	shalt  }
0x7e: {  	_ =	shalt  }
0x7f: {  	_ =	shalt  }
0x80: {  	_ =	shalt  }
0x81: {  	_ =	shalt  }
0x82: {  	_ =	shalt  }
0x83: {  	_ =	shalt  }
0x84: {  	_ =	shalt  }
0x85: {  	_ =	shalt  }
0x86: {  	_ =	shalt  }
0x87: {  	_ =	shalt  }
.Lfunc_end0:
.L_simem_size_0:
called_computation_lowered:
.L_overlay_start_0:
0x88: {  	s2 =	sld [smem:$0x3FD9]  }
0x89: {  	s3 =	sld [smem:$0x3FFE];
	_ =	sdelay $0x1  }
0x8a: {  	s1 =	srdreg.scid  }
0x8b: {  	s0 =	sand.u32 $0x1, s1  }
0x8c: {  	s17 =	sshll.u32 s0, $0xA;
	s2 =	sadd.s32 s3, s2  }
0x8d: {  	s2 =	sadd.s32 s2, s17  }
0x8e: {  	[smem:$0x3FC5] =	sst s2  }
0x8f: {  	_ = 	snop  }
0x90: {  	s2 =	sld [smem:$0x3FC9];
	(tm) =	ssettm $0x1  }
0x91: {  	s18 =	sld [smem:$0x3FFB];
	_ =	sdelay $0x3  }
0x92: {  	_ =	strace s18  }
0x93: {  	s3 =	sld [smem:$0x3FFC];
	_ =	sdelay $0x3  }
0x94: {  	_ =	strace s3  }
0x95: {  	s3 =	sld [smem:$0x3FFD];
	_ =	sdelay $0x3  }
0x96: {  	_ =	strace s3  }
0x97: {  	_ =	strace $0x8FFFFFFF  }
0x98: {  	s19 =	sld [smem:$0x3FDB];
	_ =	sdelay $0x1  }
0x99: {  	s4 =	simm.s32 $_scs_section_size  }
0x9a: {  	s5 =	simm.s32 $_size__tile_overlayer_lowered;
	s6 =	simm.s32 $_tile_overlayer_lowered  }
0x9b: {  	s22 =	simm.s32 $0x1BFF;
	s21 =	sshll.u32 s6, $0x1;
	s3 =	sadd.s32 s4, s19  }
0x9c: {  	s7 =	simm.s32 $0x0;
	s20 =	sshll.u32 s5, $0x1;
	s5 =	sadd.s32 s21, s3  }
0x9d: {  	[timem:s7], [sflag:s22] =	dma.local [hbm:s5], s20  }
0x9e: {  	_ =	swait.ge [sflag:s22], s20  }
0x9f: {  	s4 =	ssub.s32 $0x0, s20;
	[sflag:s22] =	ssyncset.done $0x0  }
0xa0: {  	[sflag:s22] =	ssyncadd.s32 s4;
	_ =	sdelay $0x1  }
0xa1: {  	s23 =	simm.s32 $0x1B8B  }
0xa2: {  	_ =	swait.ge [sflag:s23], $0x1  }
0xa3: {  	[sflag:s23] =	ssyncset.done $0x0  }
0xa4: {  	s25 =	simm.s32 $0x1B8E;
	s24 =	sld [smem:$0x3FFE];
	[sflag:s23] =	ssyncadd.s32 $0xFFFFFFFF  }
0xa5: {  	s26 =	simm.s32 $execute0_lowered;
	[smem:$0x3FD2] =	sst s25  }
0xa6: {  	s5 =	sshll.u32 s26, $0x1;
	_ =	strace $0x80000046;
	[dreg:$0x1] =	wrdreg $0xFFFFFFFF  }
0xa7: {  	s28 =	simm.s32 $_size_execute0_lowered;
	s3 =	sadd.s32 s3, s5;
	[dreg:$0x0] =	wrdreg $0x0  }
0xa8: {  	s5 =	sshll.u32 s28, $0x1;
	[dreg:$0x2] =	wrdreg s3  }
0xa9: {  	[dreg:$0x3] =	wrdreg s5  }
0xaa: {  	[dreg:$0x4] =	wrdreg $0xC0  }
0xab: {  	_ =	task [dreg:s7], $0x5FFFF  }
0xac: {  	[dreg:$0x1] =	wrdreg $0xFFFFFFFF  }
0xad: {  	[dreg:$0x0] =	wrdreg $0x60  }
0xae: {  	[dreg:$0x2] =	wrdreg s2  }
0xaf: {  	[dreg:$0x3] =	wrdreg s24  }
0xb0: {  	[dreg:$0x4] =	wrdreg $0x9  }
0xb1: {  	_ =	task.clear_ibuf [dreg:s7], $0x5FFFF;
	_ =	strace $0x90000046  }
0xb2: {  	s29 =	simm.s32 $0x9;
	_ =	strace $0x80000048  }
0xb3: {  	_ =	swait.ge [sflag:s29], $0x1  }
0xb4: {  	[sflag:s29] =	ssyncadd.s32 $0xFFFFFFFF  }
0xb5: {  	_ =	strace $0x90000048  }
0xb6: {  	_ =	sfence  }
0xb7: {  	s30 =	sld [smem:$0x0];
	_ =	sdelay $0x2  }
0xb8: {  	s31 =	sshll.u32 s1, $0xD;
	s1 =	sshrl.u32 s1, $0x2  }
0xb9: {  	s3 =	sand.u32 $0x4000, s31;
	s1 =	sadd.s32 s1, s30  }
0xba: {  	s0 =	sor.u32 s3, s0;
	s1 =	sshll.u32 s1, $0x11  }
0xbb: {  	s0 =	sor.u32 s1, s0  }
0xbc: {  	s0 =	sadd.s32 $0x8F2B, s0  }
0xbd: {  	[sflag:s0] =	ssyncadd.remote.s32 $0x1  }
0xbe: {  	_ =	sfence.sel $0xFFFF  }
0xbf: {  	[dreg:$0x0] =	wrdreg $0xFFFFFFFF;
	(pc) =	sbr.abs _section_cstart, $3  }
0xc0: {  	[dreg:$0x1] =	wrdreg $0xFFFFFFFF  }
0xc1: {  	_ =	task.clear_ibuf [dreg:s7], $0x2FFFF;
	_ =	strace $0x9FFFFFFF  }
0xc2: {  	(tm) =	ssettm $0x7FFFFFFF  }
0xc3: {  	_ =	shalt  }
tec
execute0_lowered:
.L_overlay_start_1:
0x0: {  	(tag) =	ssettag $0x1  }
0x1: {  	s4 =	rddreg [dreg:$0x0]  }
0x2: {  	s5 =	rddreg [dreg:$0x1]  }
0x3: {  	s0 =	rddreg [dreg:$0x2];
	s3 =	srdreg.scid  }
0x4: {  	s1 =	stileid.u32;
	s2 =	simm.s32 $0x0;
	s10 =	simm.s32 $0x1  }
0x5: {  	s11 =	simm.s32 $0x2;
	s12 =	simm.s32 $0x10000;
	s13 =	simm.s32 $0x3  }
0x6: {  	s14 =	simm.s32 $0x10080;
	s3 =	sand.u32 $0x1, s3;
	s6 =	sshll.u32 s1, $0x1  }
0x7: {  	s15 =	simm.s32 $0x0;
	[smem:$0x7FF] =	sst s2;
	s6 =	sor.u32 s3, s6  }
0x8: {  	_ =	strace $0x80000047;
	s7 =	ssub.s32 $0x2, s3;
	s3 =	sadd.s32 $0x200, s5  }
0x9: {  	s8 =	smul.u32 $0x1C000, s6;
	s6 =	sshll.u32 s6, $0x4;
	s9 =	sshrl.u32 s7, $0x1  }
0xa: {  	s5 =	sadd.s32 s6, s5;
	s31 =	ssub.s32 s7, s9;
	s9 =	simm.s32 $0x8000  }
0xb: {  	s8 =	sadd.s32 s4, s8;
	s5 =	sadd.s32 $0x400, s5;
	s6 =	smax.u32 s31, $0x1  }
0xc: {  	vm0 =	vcmask $0x300;
	s4 =	sadd.s32 $0x480000, s8;
	s7 =	sadd.s32 $0x481000, s8;
	s8 =	sadd.s32 $0x482000, s8  }
.LBB2_1:
0xd: {  	[tilespmem:s2], [sflag:$0x1] =	stream.linear.gather [hbm4b:s4+s2], $0x8000, $0x38;
	[tilespmem:$0x10100] =	vst v63  }
0xe: {  	v0 =	vimm.f32 $0.0e+00;
	s16 =	simm.s32 $0x0  }
.LBB2_2:
0xf: {  	s17 =	sshll.u32 s16, $0xD  }
0x10: {  	s18 =	simm.s32 $0x0;
	s19 =	sadd.s32 s7, s17  }
0x11: {  	[tilespmem:s9], [sflag:$0x2] =	stream.linear.gather [hbm4b:s19+s18], $0x8000, $0x38;
	[tilespmem:$0x10100] =	vst v63  }
0x12: {  	_ =	swait.ge [sflag:s10], $0x8000  }
0x13: {  	[sflag:s10] =	ssyncset.done $0x0  }
0x14: {  	s19 =	simm.s32 $0x470;
	[sflag:s10] =	ssyncadd.s32 $0xFFFF8000  }
.LBB2_3:
0x15: {  	v1 =	vmov s19;
	_ =	sdelay $0x3  }
0x16: {  	s20 =	simm.s32 $0x0  }
0x17: {  	v2 =	vld.idx.msk [tilespmem:v1+s20+$0xFFFFFBF0 ss:$0x1], $0xffff  }
0x18: {  	v3 =	vld.idx.msk [tilespmem:v1+s20+$0xFFFFFF90 ss:$0x1], $0xffff  }
0x19: {  	v4 =	vld.idx.msk [tilespmem:v1+s20+$0xFFFFFBD0 ss:$0x1], $0xffff  }
0x1a: {  	v5 =	vld.idx.msk [tilespmem:v1+s20+$0xFFFFFB90 ss:$0x1], $0xffff  }
0x1b: {  	v6 =	vld.idx.msk [tilespmem:v1+s20+$0xFFFFFFE0 ss:$0x1], $0xffff  }
0x1c: {  	v7 =	vld.idx.msk [tilespmem:v1+s20+$0xFFFFFFD0 ss:$0x1], $0xffff;
	v2 =	vmul.f32 $1.442695020e+00, v2  }
0x1d: {  	v8 =	vld.idx.msk [tilespmem:v1+s20+$0xFFFFFBB0 ss:$0x1], $0xffff;
	v3 =	vmul.f32 $1.442695020e+00, v3  }
0x1e: {  	v9 =	vld.idx.msk [tilespmem:v1+s20+$0xFFFFFC00 ss:$0x1], $0xffff;
	v4 =	vmul.f32 $1.442695020e+00, v4;
	(erf) = vpow2.f32 v2  }
0x1f: {  	v5 =	vmul.f32 $1.442695020e+00, v5;
	v2 =	vld.idx.msk [tilespmem:v1+s20+$0xFFFFFBC0 ss:$0x1], $0xffff;
	(erf) = vpow2.f32 v3  }
0x20: {  	v3 =	vld.idx.msk [tilespmem:v1+s20+$0xFFFFFBA0 ss:$0x1], $0xffff;
	(erf) = vpow2.f32 v4  }
0x21: {  	v7 =	vmul.f32 $1.442695020e+00, v7;
	v4 =	vld.idx.msk [tilespmem:v1+s20+$0xFFFFFBE0 ss:$0x1], $0xffff;
	(erf) = vpow2.f32 v5  }
0x22: {  	v5 =	vmul.f32 $1.442695020e+00, v6;
	v6 =	vld.idx.msk [tilespmem:v1+s20+$0xFFFFFFC0 ss:$0x1], $0xffff  }
0x23: {  	v10 =	vld.idx.msk [tilespmem:v1+s20+$0xFFFFFFB0 ss:$0x1], $0xffff;
	v8 =	vmul.f32 $1.442695020e+00, v8;
	(erf) = vpow2.f32 v7  }
0x24: {  	s21 =	simm.s32 $0x800;
	v7 =	vmul.f32 $1.442695020e+00, v9;
	v9 =	vld.idx.msk [tilespmem:v1+s20+$0xFFFFFFF0 ss:$0x1], $0xffff;
	v2 =	vmul.f32 $1.442695020e+00, v2  }
0x25: {  	v18 =	vld.idx.msk [tilespmem:v1+s21+$0xFFFFFC00 ss:$0x1], $0xffff;
	(erf) = vpow2.f32 v8;
	v3 =	vmul.f32 $1.442695020e+00, v3  }
0x26: {  	v8 =	vld.idx.msk [tilespmem:v1+s20+$0x0 ss:$0x1], $0xffff;
	(erf) = vpow2.f32 v2;
	v2 =	vmul.f32 $1.442695020e+00, v4  }
0x27: {  	v4 =	vld.idx.msk [tilespmem:v1+s20+$0xFFFFFFA0 ss:$0x1], $0xffff;
	(erf) = vpow2.f32 v7;
	v6 =	vmul.f32 $1.442695020e+00, v6;
	v11 =	vpop (erf)  }
0x28: {  	v7 =	vld.idx.msk [tilespmem:v1+s21+$0xFFFFFBF0 ss:$0x1], $0xffff;
	(erf) = vpow2.f32 v3;
	v3 =	vmul.f32 $1.442695020e+00, v10;
	v10 =	vpop (erf)  }
0x29: {  	(erf) = vpow2.f32 v2;
	v2 =	vmul.f32 $1.442695020e+00, v9;
	v9 =	vpop (erf)  }
0x2a: {  	v14 =	vld.idx.msk [tilespmem:v1+s21+$0xFFFFFBE0 ss:$0x1], $0xffff;
	v26 =	vmul.f32 $1.442695020e+00, v18;
	(erf) = vpow2.f32 v6;
	v6 =	vimm.f32 $0.0e+00;
	v13 =	vpop (erf)  }
0x2b: {  	(erf) = vpow2.f32 v3;
	v3 =	vmax.f32 v6, v13;
	v13 =	vadd.f32 v13, v6  }
0x2c: {  	v12 =	vld.idx.msk [tilespmem:v1+s21+$0xFFFFFFE0 ss:$0x1], $0xffff;
	v8 =	vmul.f32 $1.442695020e+00, v8;
	v4 =	vmul.f32 $1.442695020e+00, v4  }
0x2d: {  	(erf) = vpow2.f32 v2;
	v15 =	vmul.f32 $1.442695020e+00, v7  }
0x2e: {  	v2 =	vpop (erf);
	v3 =	vmax.f32 v3, v9;
	(erf) = vpow2.f32 v8;
	v8 =	vld.idx.msk [tilespmem:v1+s21+$0xFFFFFF90 ss:$0x1], $0xffff;
	v9 =	vadd.f32 v9, v13  }
0x2f: {  	v20 =	vld.idx.msk [tilespmem:v1+s21+$0xFFFFFB90 ss:$0x1], $0xffff;
	v7 =	vmul.f32 $1.442695020e+00, v14;
	v3 =	vmax.f32 v3, v10;
	v13 =	vpop (erf);
	(erf) = vpow2.f32 v5  }
0x30: {  	v5 =	vld.idx.msk [tilespmem:v1+s21+$0xFFFFFBD0 ss:$0x1], $0xffff;
	v10 =	vadd.f32 v10, v9;
	v16 =	vmax.f32 v6, v13;
	v17 =	vpop (erf);
	(erf) = vpow2.f32 v4  }
0x31: {  	v24 =	vld.idx.msk [tilespmem:v1+s21+$0xFFFFFBC0 ss:$0x1], $0xffff;
	v4 =	vmul.f32 $1.442695020e+00, v12;
	v12 =	vadd.f32 v13, v6;
	v13 =	vmax.f32 v6, v17;
	v19 =	vpop (erf)  }
0x32: {  	(erf) = vpow2.f32 v15;
	v14 =	vadd.f32 v17, v6;
	v17 =	vld.idx.msk [tilespmem:v1+s21+$0xFFFFFFD0 ss:$0x1], $0xffff;
	v22 =	vmax.f32 v16, v11;
	v15 =	vpop (erf)  }
0x33: {  	v16 =	vld.idx.msk [tilespmem:v1+s21+$0xFFFFFBB0 ss:$0x1], $0xffff;
	v8 =	vmul.f32 $1.442695020e+00, v8;
	v11 =	vadd.f32 v11, v12;
	v21 =	vmax.f32 v6, v15  }
0x34: {  	v6 =	vadd.f32 v15, v6;
	v15 =	vpop (erf);
	v9 =	vadd.f32 v19, v14;
	v14 =	vmul.f32 $1.442695020e+00, v20  }
0x35: {  	v13 =	vmax.f32 v13, v19;
	(erf) = vpow2.f32 v8;
	v23 =	vpop (erf);
	v5 =	vmul.f32 $1.442695020e+00, v5  }
0x36: {  	v19 =	vmul.f32 $1.442695020e+00, v24;
	v21 =	vmax.f32 v21, v15;
	v6 =	vadd.f32 v15, v6;
	v25 =	vpop (erf);
	v15 =	vld.idx.msk [tilespmem:v1+s21+$0xFFFFFBA0 ss:$0x1], $0xffff  }
0x37: {  	v8 =	vadd.f32 v25, v11;
	v11 =	vmul.f32 $1.442695020e+00, v17;
	(erf) = vpow2.f32 v5  }
0x38: {  	v29 =	vadd.f32 v23, v9;
	v27 =	vpop (erf);
	v18 =	vmul.f32 $1.442695020e+00, v16;
	(erf) = vpow2.f32 v14  }
0x39: {  	v13 =	vmax.f32 v13, v23;
	v16 =	vld.idx.msk [tilespmem:v1+s21+$0xFFFFFFC0 ss:$0x1], $0xffff;
	v28 =	vpop (erf);
	v14 =	vadd.f32 v2, v10;
	(erf) = vpow2.f32 v11  }
0x3a: {  	v17 =	vld.idx.msk [tilespmem:v1+s21+$0xFFFFFFB0 ss:$0x1], $0xffff;
	v12 =	vpop (erf);
	v9 =	vadd.f32 v27, v8;
	v10 =	vmax.f32 v13, v28;
	(erf) = vpow2.f32 v18  }
0x3b: {  	v13 =	vadd.f32 v28, v29;
	v18 =	vld.idx.msk [tilespmem:v1+s21+$0xFFFFFFF0 ss:$0x1], $0xffff;
	v8 =	vpop (erf);
	v20 =	vmul.f32 $1.442695020e+00, v15;
	(erf) = vpow2.f32 v19  }
0x3c: {  	v19 =	vld.idx.msk [tilespmem:v1+s21+$0x0 ss:$0x1], $0xffff;
	v11 =	vmax.f32 v21, v8;
	v15 =	vadd.f32 v8, v6;
	v21 =	vmax.f32 v22, v25  }
0x3d: {  	s20 =	simm.s32 $0x4000;
	v5 =	vld.idx.msk [tilespmem:v1+s21+$0xFFFFFFA0 ss:$0x1], $0xffff;
	v6 =	vpop (erf);
	(erf) = vpow2.f32 v26;
	v8 =	vmax.f32 v11, v12;
	v11 =	vmax.f32 v21, v27  }
.LBB2_4:
0x3e: {  	s21 =	sshra.s32 s20, $0x2;
	p0 =	sne.s32 s20, $0x1E000;
	s20 =	sadd.s32 $0x2000, s20;
	v16 =	vmul.f32 $1.442695020e+00, v16;
	(erf) = vpow2.f32 v20;
	v2 =	vmax.f32 v3, v2  }
0x3f: {  	v3 =	vmul.f32 $1.442695020e+00, v17;
	v12 =	vadd.f32 v12, v15;
	v20 =	vld.idx.msk [tilespmem:v1+s21+$0xFFFFFBF0 ss:$0x1], $0xffff;
	(erf) = vpow2.f32 v7;
	v17 =	vpop (erf)  }
0x40: {  	v15 =	vmul.f32 $1.442695020e+00, v18;
	v7 =	vld.idx.msk [tilespmem:v1+s21+$0xFFFFFFE0 ss:$0x1], $0xffff;
	v18 =	vpop (erf);
	(erf) = vpow2.f32 v16  }
0x41: {  	v19 =	vmul.f32 $1.442695020e+00, v19;
	v16 =	vld.idx.msk [tilespmem:v1+s21+$0xFFFFFBE0 ss:$0x1], $0xffff;
	v21 =	vpop (erf);
	(erf) = vpow2.f32 v3  }
0x42: {  	v22 =	vld.idx.msk [tilespmem:v1+s21+$0xFFFFFF90 ss:$0x1], $0xffff;
	v3 =	vmax.f32 v2, v21;
	v14 =	vadd.f32 v21, v14;
	v2 =	vpop (erf);
	(erf) = vpow2.f32 v15  }
0x43: {  	v21 =	vmul.f32 $1.442695020e+00, v5;
	v15 =	vld.idx.msk [tilespmem:v1+s21+$0xFFFFFBD0 ss:$0x1], $0xffff;
	v3 =	vmax.f32 v3, v18;
	(erf) = vpow2.f32 v19  }
0x44: {  	v5 =	vld.idx.msk [tilespmem:v1+s21+$0xFFFFFFA0 ss:$0x1], $0xffff;
	v14 =	vadd.f32 v18, v14;
	v3 =	vmax.f32 v3, v17;
	v18 =	vpop (erf);
	(erf) = vpow2.f32 v4  }
0x45: {  	v20 =	vmul.f32 $1.442695020e+00, v20;
	v19 =	vld.idx.msk [tilespmem:v1+s21+$0xFFFFFC00 ss:$0x1], $0xffff;
	v11 =	vmax.f32 v11, v18;
	v23 =	vpop (erf);
	(erf) = vpow2.f32 v21  }
0x46: {  	v4 =	vmul.f32 $1.442695020e+00, v7;
	v9 =	vadd.f32 v18, v9;
	v21 =	vld.idx.msk [tilespmem:v1+s21+$0xFFFFFB90 ss:$0x1], $0xffff;
	v10 =	vmax.f32 v10, v23;
	v18 =	vpop (erf)  }
0x47: {  	v7 =	vmul.f32 $1.442695020e+00, v16;
	v13 =	vadd.f32 v23, v13;
	v24 =	vld.idx.msk [tilespmem:v1+s21+$0xFFFFFFD0 ss:$0x1], $0xffff;
	(erf) = vpow2.f32 v20;
	v16 =	vpop (erf)  }
0x48: {  	v11 =	vmax.f32 v11, v6;
	v20 =	vld.idx.msk [tilespmem:v1+s21+$0xFFFFFBB0 ss:$0x1], $0xffff;
	v8 =	vmax.f32 v8, v16;
	v12 =	vadd.f32 v16, v12;
	v16 =	vpop (erf)  }
0x49: {  	v6 =	vadd.f32 v6, v9;
	v10 =	vmax.f32 v10, v18;
	v23 =	vld.idx.msk [tilespmem:v1+s21+$0xFFFFFBC0 ss:$0x1], $0xffff;
	v8 =	vmax.f32 v8, v16;
	v25 =	vpop (erf)  }
0x4a: {  	v14 =	vadd.f32 v17, v14;
	v9 =	vmul.f32 $1.442695020e+00, v22;
	v26 =	vld.idx.msk [tilespmem:v1+s21+$0xFFFFFBA0 ss:$0x1], $0xffff;
	v22 =	vadd.f32 v16, v12;
	v27 =	vpop (erf)  }
0x4b: {  	v13 =	vadd.f32 v18, v13;
	v16 =	vmul.f32 $1.442695020e+00, v15;
	v28 =	vmul.f32 $1.442695020e+00, v19;
	v29 =	vpop (erf)  }
0x4c: {  	v17 =	vmul.f32 $1.442695020e+00, v21;
	v6 =	vadd.f32 v27, v6;
	(erf) = vpow2.f32 v9;
	v21 =	vpop (erf)  }
0x4d: {  	v13 =	vadd.f32 v25, v13;
	v18 =	vmul.f32 $1.442695020e+00, v24;
	(erf) = vpow2.f32 v16;
	v12 =	vpop (erf)  }
0x4e: {  	v24 =	vmul.f32 $1.442695020e+00, v20;
	v9 =	vadd.f32 v29, v6;
	v16 =	vld.idx.msk [tilespmem:v1+s21+$0xFFFFFFC0 ss:$0x1], $0xffff;
	(erf) = vpow2.f32 v17;
	v15 =	vpop (erf)  }
.Ltmp0:
0x4f: {  	v23 =	vmul.f32 $1.442695020e+00, v23;
	v17 =	vld.idx.msk [tilespmem:v1+s21+$0xFFFFFFB0 ss:$0x1], $0xffff;
	(erf) = vpow2.f32 v18;
	v8 =	vmax.f32 v8, v15;
	(pc) =	sbr.rel @p0 .LBB2_4-.Ltmp0, $4  }
0x50: {  	v14 =	vadd.f32 v2, v14;
	v10 =	vmax.f32 v10, v25;
	v20 =	vmul.f32 $1.442695020e+00, v26;
	v18 =	vld.idx.msk [tilespmem:v1+s21+$0xFFFFFFF0 ss:$0x1], $0xffff;
	v6 =	vpop (erf)  }
0x51: {  	v11 =	vmax.f32 v11, v27;
	v15 =	vadd.f32 v15, v22;
	v19 =	vld.idx.msk [tilespmem:v1+s21+$0x0 ss:$0x1], $0xffff;
	(erf) = vpow2.f32 v24  }
0x52: {  	v10 =	vmax.f32 v10, v21;
	v8 =	vmax.f32 v8, v12;
	(erf) = vpow2.f32 v23  }
0x53: {  	v11 =	vmax.f32 v11, v29;
	v13 =	vadd.f32 v21, v13;
	(erf) = vpow2.f32 v28  }
0x54: {  	v1 =	vmul.f32 $1.442695020e+00, v16  }
0x55: {  	(erf) = vpow2.f32 v20  }
0x56: {  	v50 =	vmul.f32 $1.442695020e+00, v17;
	(erf) = vpow2.f32 v7  }
0x57: {  	v51 =	vpop (erf);
	v52 =	vmul.f32 $1.442695020e+00, v18;
	(erf) = vpow2.f32 v1  }
0x58: {  	v53 =	vmul.f32 $1.442695020e+00, v19;
	v1 =	vpop (erf);
	(erf) = vpow2.f32 v50  }
0x59: {  	v54 =	vpop (erf);
	(erf) = vpow2.f32 v52  }
0x5a: {  	v5 =	vmul.f32 $1.442695020e+00, v5;
	v55 =	vpop (erf);
	(erf) = vpow2.f32 v53  }
0x5b: {  	v56 =	vpop (erf);
	(erf) = vpow2.f32 v4  }
0x5c: {  	v57 =	vpop (erf);
	(erf) = vpow2.f32 v5  }
0x5d: {  	v58 =	vpop (erf)  }
0x5e: {  	v59 =	vpop (erf)  }
0x5f: {  	v60 =	vpop (erf)  }
0x60: {  	v12 =	vadd.f32 v12, v15;
	v61 =	vpop (erf)  }
0x61: {  	v14 =	vadd.f32 v54, v14;
	v9 =	vadd.f32 v56, v9;
	v21 =	vpop (erf)  }
0x62: {  	v13 =	vadd.f32 v57, v13;
	v12 =	vadd.f32 v59, v12;
	v22 =	vpop (erf)  }
0x63: {  	v14 =	vadd.f32 v1, v14;
	v9 =	vadd.f32 v6, v9;
	v23 =	vpop (erf)  }
0x64: {  	v13 =	vadd.f32 v58, v13;
	v12 =	vadd.f32 v60, v12;
	v24 =	vpop (erf)  }
0x65: {  	v14 =	vadd.f32 v51, v14;
	v9 =	vadd.f32 v21, v9;
	v25 =	vpop (erf)  }
0x66: {  	v13 =	vadd.f32 v61, v13;
	v12 =	vadd.f32 v25, v12  }
0x67: {  	v14 =	vadd.f32 v55, v14;
	v9 =	vadd.f32 v22, v9  }
0x68: {  	v13 =	vadd.f32 v23, v13;
	v12 =	vadd.f32 v24, v12;
	_ =	sdelay $0x1  }
0x69: {  	v9 =	vadd.f32 v13, v9;
	v12 =	vadd.f32 v12, v14;
	_ =	sdelay $0x1  }
0x6a: {  	v9 =	vadd.f32 v9, v12;
	_ =	sdelay $0x1  }
0x6b: {  	(xrf2) =	vadd.scan.msk.f32 $0xffff, v9;
	_ =	sdelay $0x3  }
0x6c: {  	v2 =	vmax.f32 v3, v2  }
0x6d: {  	v2 =	vmax.f32 v2, v54  }
0x6e: {  	v1 =	vmax.f32 v2, v1  }
0x6f: {  	v62 =	vmax.f32 v11, v56;
	v1 =	vmax.f32 v1, v51;
	v2 =	vmax.f32 v10, v57  }
0x70: {  	v4 =	vmax.f32 v62, v6;
	v2 =	vmax.f32 v2, v58;
	v3 =	vmax.f32 v8, v59  }
0x71: {  	v1 =	vmax.f32 v1, v55;
	v3 =	vmax.f32 v3, v60;
	v4 =	vmax.f32 v4, v21  }
0x72: {  	v2 =	vmax.f32 v2, v61;
	v4 =	vmax.f32 v4, v22;
	v3 =	vmax.f32 v3, v25;
	v63, _, _ =	vpop (xrf2)  }
0x73: {  	v2 =	vmax.f32 v2, v23;
	v3 =	vmax.f32 v3, v24;
	v5 =	vbroadcast v63, $0xF  }
0x74: {  	v2 =	vmax.f32 v4, v2;
	v1 =	vmax.f32 v1, v3  }
0x75: {  	v1 =	vmax.f32 v1, v2;
	(erf) = vrcp.f32 v5  }
0x76: {  	(xrf0) =	vmax.scan.msk.f32 $0xffff, v1;
	_ =	sdelay $0x5  }
0x77: {  	v1, _, _ =	vpop (xrf0)  }
0x78: {  	v1 =	vbroadcast v1, $0xF  }
0x79: {  	v2 =	vpop (erf)  }
0x7a: {  	v1 =	vmul.f32 v2, v1;
	_ =	sdelay $0x1  }
0x7b: {  	v1 =	vmul.f32 $-2.000000030e-01, v1;
	_ =	sdelay $0x1  }
0x7c: {  	v2 =	vmul.f32 $-1.250000000e-01, v1;
	_ =	sdelay $0x1  }
0x7d: {  	v2 =	vadd.f32 $1.428571490e-01, v2;
	_ =	sdelay $0x1  }
0x7e: {  	v2 =	vmul.f32 v2, v1;
	_ =	sdelay $0x1  }
0x7f: {  	v2 =	vadd.f32 $-1.666666720e-01, v2;
	_ =	sdelay $0x1  }
0x80: {  	v2 =	vmul.f32 v2, v1;
	_ =	sdelay $0x1  }
0x81: {  	v2 =	vadd.f32 $2.000000030e-01, v2;
	_ =	sdelay $0x1  }
0x82: {  	v2 =	vmul.f32 v2, v1;
	_ =	sdelay $0x1  }
0x83: {  	v2 =	vadd.f32 $-2.500000000e-01, v2;
	_ =	sdelay $0x1  }
0x84: {  	v2 =	vmul.f32 v2, v1;
	_ =	sdelay $0x1  }
0x85: {  	v2 =	vadd.f32 $3.333333430e-01, v2;
	_ =	sdelay $0x1  }
0x86: {  	v2 =	vmul.f32 v2, v1;
	_ =	sdelay $0x1  }
0x87: {  	v2 =	vadd.f32 $-5.000000000e-01, v2;
	_ =	sdelay $0x1  }
0x88: {  	v2 =	vmul.f32 v2, v1;
	_ =	sdelay $0x1  }
0x89: {  	v2 =	vadd.f32 $1.000000000e+00, v2;
	_ =	sdelay $0x1  }
0x8a: {  	s18 =	sadd.s32 $0x1, s18;
	v1 =	vmul.f32 v2, v1  }
0x8b: {  	p0 =	sne.s32 s18, $0x8  }
.Ltmp1:
0x8c: {  	v1 =	vadd.f32 $2.231435480e-01, v1;
	(pc) =	sbr.rel @p0 .LBB2_3-.Ltmp1, $3  }
0x8d: {  	_ = 	snop  }
0x8e: {  	v1 =	vmul.f32 v1, v1;
	_ =	sdelay $0x1  }
0x8f: {  	s19 =	sadd.s32 $0x80, s19;
	v0 =	vadd.f32 v1, v0  }
0x90: {  	p0 =	seq.s32 s16, $0xD  }
0x91: {  	s17 =	sadd.s32 @!p0 s8, s17;
	s18 =	simm.s32 @!p0 $0x0  }
0x92: {  	[tilespmem:s18], [sflag:$0x1] =	stream.linear.gather @!p0 [hbm4b:s17+s18], $0x8000, $0x38;
	[tilespmem:$0x10100] =	vst v63  }
0x93: {  	_ =	swait.ge [sflag:s11], $0x8000  }
0x94: {  	[sflag:s11] =	ssyncset.done $0x0  }
0x95: {  	s17 =	simm.s32 $0x0;
	s18 =	simm.s32 $0x8470;
	[sflag:s11] =	ssyncadd.s32 $0xFFFF8000  }
.LBB2_7:
0x96: {  	v1 =	vmov s18;
	_ =	sdelay $0x3  }
0x97: {  	s19 =	simm.s32 $0x0  }
0x98: {  	v2 =	vld.idx.msk [tilespmem:v1+s19+$0xFFFFFBF0 ss:$0x1], $0xffff  }
0x99: {  	v3 =	vld.idx.msk [tilespmem:v1+s19+$0xFFFFFF90 ss:$0x1], $0xffff  }
0x9a: {  	v4 =	vld.idx.msk [tilespmem:v1+s19+$0xFFFFFBD0 ss:$0x1], $0xffff  }
0x9b: {  	v5 =	vld.idx.msk [tilespmem:v1+s19+$0xFFFFFB90 ss:$0x1], $0xffff  }
0x9c: {  	v6 =	vld.idx.msk [tilespmem:v1+s19+$0xFFFFFFE0 ss:$0x1], $0xffff  }
0x9d: {  	v7 =	vld.idx.msk [tilespmem:v1+s19+$0xFFFFFFD0 ss:$0x1], $0xffff;
	v2 =	vmul.f32 $1.442695020e+00, v2  }
0x9e: {  	v8 =	vld.idx.msk [tilespmem:v1+s19+$0xFFFFFBB0 ss:$0x1], $0xffff;
	v3 =	vmul.f32 $1.442695020e+00, v3  }
0x9f: {  	v9 =	vld.idx.msk [tilespmem:v1+s19+$0xFFFFFC00 ss:$0x1], $0xffff;
	v4 =	vmul.f32 $1.442695020e+00, v4;
	(erf) = vpow2.f32 v2  }
0xa0: {  	v5 =	vmul.f32 $1.442695020e+00, v5;
	v2 =	vld.idx.msk [tilespmem:v1+s19+$0xFFFFFBC0 ss:$0x1], $0xffff;
	(erf) = vpow2.f32 v3  }
0xa1: {  	v3 =	vld.idx.msk [tilespmem:v1+s19+$0xFFFFFBA0 ss:$0x1], $0xffff;
	(erf) = vpow2.f32 v4  }
0xa2: {  	v7 =	vmul.f32 $1.442695020e+00, v7;
	v4 =	vld.idx.msk [tilespmem:v1+s19+$0xFFFFFBE0 ss:$0x1], $0xffff;
	(erf) = vpow2.f32 v5  }
0xa3: {  	v5 =	vmul.f32 $1.442695020e+00, v6;
	v6 =	vld.idx.msk [tilespmem:v1+s19+$0xFFFFFFC0 ss:$0x1], $0xffff  }
0xa4: {  	v10 =	vld.idx.msk [tilespmem:v1+s19+$0xFFFFFFB0 ss:$0x1], $0xffff;
	v8 =	vmul.f32 $1.442695020e+00, v8;
	(erf) = vpow2.f32 v7  }
0xa5: {  	s20 =	simm.s32 $0x800;
	v7 =	vmul.f32 $1.442695020e+00, v9;
	v9 =	vld.idx.msk [tilespmem:v1+s19+$0xFFFFFFF0 ss:$0x1], $0xffff;
	v2 =	vmul.f32 $1.442695020e+00, v2  }
0xa6: {  	v18 =	vld.idx.msk [tilespmem:v1+s20+$0xFFFFFC00 ss:$0x1], $0xffff;
	(erf) = vpow2.f32 v8;
	v3 =	vmul.f32 $1.442695020e+00, v3  }
0xa7: {  	v8 =	vld.idx.msk [tilespmem:v1+s19+$0x0 ss:$0x1], $0xffff;
	(erf) = vpow2.f32 v2;
	v2 =	vmul.f32 $1.442695020e+00, v4  }
0xa8: {  	v4 =	vld.idx.msk [tilespmem:v1+s19+$0xFFFFFFA0 ss:$0x1], $0xffff;
	(erf) = vpow2.f32 v7;
	v6 =	vmul.f32 $1.442695020e+00, v6;
	v11 =	vpop (erf)  }
0xa9: {  	v7 =	vld.idx.msk [tilespmem:v1+s20+$0xFFFFFBF0 ss:$0x1], $0xffff;
	(erf) = vpow2.f32 v3;
	v3 =	vmul.f32 $1.442695020e+00, v10;
	v10 =	vpop (erf)  }
0xaa: {  	(erf) = vpow2.f32 v2;
	v2 =	vmul.f32 $1.442695020e+00, v9;
	v9 =	vpop (erf)  }
0xab: {  	v14 =	vld.idx.msk [tilespmem:v1+s20+$0xFFFFFBE0 ss:$0x1], $0xffff;
	v26 =	vmul.f32 $1.442695020e+00, v18;
	(erf) = vpow2.f32 v6;
	v6 =	vimm.f32 $0.0e+00;
	v13 =	vpop (erf)  }
0xac: {  	(erf) = vpow2.f32 v3;
	v3 =	vmax.f32 v6, v13;
	v13 =	vadd.f32 v13, v6  }
0xad: {  	v12 =	vld.idx.msk [tilespmem:v1+s20+$0xFFFFFFE0 ss:$0x1], $0xffff;
	v8 =	vmul.f32 $1.442695020e+00, v8;
	v4 =	vmul.f32 $1.442695020e+00, v4  }
0xae: {  	(erf) = vpow2.f32 v2;
	v15 =	vmul.f32 $1.442695020e+00, v7  }
0xaf: {  	v2 =	vpop (erf);
	v3 =	vmax.f32 v3, v9;
	(erf) = vpow2.f32 v8;
	v8 =	vld.idx.msk [tilespmem:v1+s20+$0xFFFFFF90 ss:$0x1], $0xffff;
	v9 =	vadd.f32 v9, v13  }
0xb0: {  	v20 =	vld.idx.msk [tilespmem:v1+s20+$0xFFFFFB90 ss:$0x1], $0xffff;
	v7 =	vmul.f32 $1.442695020e+00, v14;
	v3 =	vmax.f32 v3, v10;
	v13 =	vpop (erf);
	(erf) = vpow2.f32 v5  }
0xb1: {  	v5 =	vld.idx.msk [tilespmem:v1+s20+$0xFFFFFBD0 ss:$0x1], $0xffff;
	v10 =	vadd.f32 v10, v9;
	v16 =	vmax.f32 v6, v13;
	v17 =	vpop (erf);
	(erf) = vpow2.f32 v4  }
0xb2: {  	v24 =	vld.idx.msk [tilespmem:v1+s20+$0xFFFFFBC0 ss:$0x1], $0xffff;
	v4 =	vmul.f32 $1.442695020e+00, v12;
	v12 =	vadd.f32 v13, v6;
	v13 =	vmax.f32 v6, v17;
	v19 =	vpop (erf)  }
0xb3: {  	(erf) = vpow2.f32 v15;
	v14 =	vadd.f32 v17, v6;
	v17 =	vld.idx.msk [tilespmem:v1+s20+$0xFFFFFFD0 ss:$0x1], $0xffff;
	v22 =	vmax.f32 v16, v11;
	v15 =	vpop (erf)  }
0xb4: {  	v16 =	vld.idx.msk [tilespmem:v1+s20+$0xFFFFFBB0 ss:$0x1], $0xffff;
	v8 =	vmul.f32 $1.442695020e+00, v8;
	v11 =	vadd.f32 v11, v12;
	v21 =	vmax.f32 v6, v15  }
0xb5: {  	v6 =	vadd.f32 v15, v6;
	v15 =	vpop (erf);
	v9 =	vadd.f32 v19, v14;
	v14 =	vmul.f32 $1.442695020e+00, v20  }
0xb6: {  	v13 =	vmax.f32 v13, v19;
	(erf) = vpow2.f32 v8;
	v23 =	vpop (erf);
	v5 =	vmul.f32 $1.442695020e+00, v5  }
0xb7: {  	v19 =	vmul.f32 $1.442695020e+00, v24;
	v21 =	vmax.f32 v21, v15;
	v6 =	vadd.f32 v15, v6;
	v25 =	vpop (erf);
	v15 =	vld.idx.msk [tilespmem:v1+s20+$0xFFFFFBA0 ss:$0x1], $0xffff  }
0xb8: {  	v8 =	vadd.f32 v25, v11;
	v11 =	vmul.f32 $1.442695020e+00, v17;
	(erf) = vpow2.f32 v5  }
0xb9: {  	v29 =	vadd.f32 v23, v9;
	v27 =	vpop (erf);
	v18 =	vmul.f32 $1.442695020e+00, v16;
	(erf) = vpow2.f32 v14  }
0xba: {  	v13 =	vmax.f32 v13, v23;
	v16 =	vld.idx.msk [tilespmem:v1+s20+$0xFFFFFFC0 ss:$0x1], $0xffff;
	v28 =	vpop (erf);
	v14 =	vadd.f32 v2, v10;
	(erf) = vpow2.f32 v11  }
0xbb: {  	v17 =	vld.idx.msk [tilespmem:v1+s20+$0xFFFFFFB0 ss:$0x1], $0xffff;
	v12 =	vpop (erf);
	v9 =	vadd.f32 v27, v8;
	v10 =	vmax.f32 v13, v28;
	(erf) = vpow2.f32 v18  }
0xbc: {  	v13 =	vadd.f32 v28, v29;
	v18 =	vld.idx.msk [tilespmem:v1+s20+$0xFFFFFFF0 ss:$0x1], $0xffff;
	v8 =	vpop (erf);
	v20 =	vmul.f32 $1.442695020e+00, v15;
	(erf) = vpow2.f32 v19  }
0xbd: {  	v19 =	vld.idx.msk [tilespmem:v1+s20+$0x0 ss:$0x1], $0xffff;
	v11 =	vmax.f32 v21, v8;
	v15 =	vadd.f32 v8, v6;
	v21 =	vmax.f32 v22, v25  }
0xbe: {  	s19 =	simm.s32 $0x4000;
	v5 =	vld.idx.msk [tilespmem:v1+s20+$0xFFFFFFA0 ss:$0x1], $0xffff;
	v6 =	vpop (erf);
	(erf) = vpow2.f32 v26;
	v8 =	vmax.f32 v11, v12;
	v11 =	vmax.f32 v21, v27  }
.LBB2_8:
0xbf: {  	s20 =	sshra.s32 s19, $0x2;
	p0 =	sne.s32 s19, $0x1E000;
	s19 =	sadd.s32 $0x2000, s19;
	v16 =	vmul.f32 $1.442695020e+00, v16;
	(erf) = vpow2.f32 v20;
	v2 =	vmax.f32 v3, v2  }
0xc0: {  	v3 =	vmul.f32 $1.442695020e+00, v17;
	v12 =	vadd.f32 v12, v15;
	v20 =	vld.idx.msk [tilespmem:v1+s20+$0xFFFFFBF0 ss:$0x1], $0xffff;
	(erf) = vpow2.f32 v7;
	v17 =	vpop (erf)  }
0xc1: {  	v15 =	vmul.f32 $1.442695020e+00, v18;
	v7 =	vld.idx.msk [tilespmem:v1+s20+$0xFFFFFFE0 ss:$0x1], $0xffff;
	v18 =	vpop (erf);
	(erf) = vpow2.f32 v16  }
0xc2: {  	v19 =	vmul.f32 $1.442695020e+00, v19;
	v16 =	vld.idx.msk [tilespmem:v1+s20+$0xFFFFFBE0 ss:$0x1], $0xffff;
	v21 =	vpop (erf);
	(erf) = vpow2.f32 v3  }
0xc3: {  	v22 =	vld.idx.msk [tilespmem:v1+s20+$0xFFFFFF90 ss:$0x1], $0xffff;
	v3 =	vmax.f32 v2, v21;
	v14 =	vadd.f32 v21, v14;
	v2 =	vpop (erf);
	(erf) = vpow2.f32 v15  }
0xc4: {  	v21 =	vmul.f32 $1.442695020e+00, v5;
	v15 =	vld.idx.msk [tilespmem:v1+s20+$0xFFFFFBD0 ss:$0x1], $0xffff;
	v3 =	vmax.f32 v3, v18;
	(erf) = vpow2.f32 v19  }
0xc5: {  	v5 =	vld.idx.msk [tilespmem:v1+s20+$0xFFFFFFA0 ss:$0x1], $0xffff;
	v14 =	vadd.f32 v18, v14;
	v3 =	vmax.f32 v3, v17;
	v18 =	vpop (erf);
	(erf) = vpow2.f32 v4  }
0xc6: {  	v20 =	vmul.f32 $1.442695020e+00, v20;
	v19 =	vld.idx.msk [tilespmem:v1+s20+$0xFFFFFC00 ss:$0x1], $0xffff;
	v11 =	vmax.f32 v11, v18;
	v23 =	vpop (erf);
	(erf) = vpow2.f32 v21  }
0xc7: {  	v4 =	vmul.f32 $1.442695020e+00, v7;
	v9 =	vadd.f32 v18, v9;
	v21 =	vld.idx.msk [tilespmem:v1+s20+$0xFFFFFB90 ss:$0x1], $0xffff;
	v10 =	vmax.f32 v10, v23;
	v18 =	vpop (erf)  }
0xc8: {  	v7 =	vmul.f32 $1.442695020e+00, v16;
	v13 =	vadd.f32 v23, v13;
	v24 =	vld.idx.msk [tilespmem:v1+s20+$0xFFFFFFD0 ss:$0x1], $0xffff;
	(erf) = vpow2.f32 v20;
	v16 =	vpop (erf)  }
0xc9: {  	v11 =	vmax.f32 v11, v6;
	v20 =	vld.idx.msk [tilespmem:v1+s20+$0xFFFFFBB0 ss:$0x1], $0xffff;
	v8 =	vmax.f32 v8, v16;
	v12 =	vadd.f32 v16, v12;
	v16 =	vpop (erf)  }
0xca: {  	v6 =	vadd.f32 v6, v9;
	v10 =	vmax.f32 v10, v18;
	v23 =	vld.idx.msk [tilespmem:v1+s20+$0xFFFFFBC0 ss:$0x1], $0xffff;
	v8 =	vmax.f32 v8, v16;
	v25 =	vpop (erf)  }
0xcb: {  	v14 =	vadd.f32 v17, v14;
	v9 =	vmul.f32 $1.442695020e+00, v22;
	v26 =	vld.idx.msk [tilespmem:v1+s20+$0xFFFFFBA0 ss:$0x1], $0xffff;
	v22 =	vadd.f32 v16, v12;
	v27 =	vpop (erf)  }
0xcc: {  	v13 =	vadd.f32 v18, v13;
	v16 =	vmul.f32 $1.442695020e+00, v15;
	v28 =	vmul.f32 $1.442695020e+00, v19;
	v29 =	vpop (erf)  }
0xcd: {  	v17 =	vmul.f32 $1.442695020e+00, v21;
	v6 =	vadd.f32 v27, v6;
	(erf) = vpow2.f32 v9;
	v21 =	vpop (erf)  }
0xce: {  	v13 =	vadd.f32 v25, v13;
	v18 =	vmul.f32 $1.442695020e+00, v24;
	(erf) = vpow2.f32 v16;
	v12 =	vpop (erf)  }
0xcf: {  	v24 =	vmul.f32 $1.442695020e+00, v20;
	v9 =	vadd.f32 v29, v6;
	v16 =	vld.idx.msk [tilespmem:v1+s20+$0xFFFFFFC0 ss:$0x1], $0xffff;
	(erf) = vpow2.f32 v17;
	v15 =	vpop (erf)  }
.Ltmp2:
0xd0: {  	v23 =	vmul.f32 $1.442695020e+00, v23;
	v17 =	vld.idx.msk [tilespmem:v1+s20+$0xFFFFFFB0 ss:$0x1], $0xffff;
	(erf) = vpow2.f32 v18;
	v8 =	vmax.f32 v8, v15;
	(pc) =	sbr.rel @p0 .LBB2_8-.Ltmp2, $4  }
0xd1: {  	v14 =	vadd.f32 v2, v14;
	v10 =	vmax.f32 v10, v25;
	v20 =	vmul.f32 $1.442695020e+00, v26;
	v18 =	vld.idx.msk [tilespmem:v1+s20+$0xFFFFFFF0 ss:$0x1], $0xffff;
	v6 =	vpop (erf)  }
0xd2: {  	v11 =	vmax.f32 v11, v27;
	v15 =	vadd.f32 v15, v22;
	v19 =	vld.idx.msk [tilespmem:v1+s20+$0x0 ss:$0x1], $0xffff;
	(erf) = vpow2.f32 v24  }
0xd3: {  	v10 =	vmax.f32 v10, v21;
	v8 =	vmax.f32 v8, v12;
	(erf) = vpow2.f32 v23  }
0xd4: {  	v11 =	vmax.f32 v11, v29;
	v13 =	vadd.f32 v21, v13;
	(erf) = vpow2.f32 v28  }
0xd5: {  	v1 =	vmul.f32 $1.442695020e+00, v16  }
0xd6: {  	(erf) = vpow2.f32 v20  }
0xd7: {  	v50 =	vmul.f32 $1.442695020e+00, v17;
	(erf) = vpow2.f32 v7  }
0xd8: {  	v51 =	vpop (erf);
	v52 =	vmul.f32 $1.442695020e+00, v18;
	(erf) = vpow2.f32 v1  }
0xd9: {  	v53 =	vmul.f32 $1.442695020e+00, v19;
	v1 =	vpop (erf);
	(erf) = vpow2.f32 v50  }
0xda: {  	v54 =	vpop (erf);
	(erf) = vpow2.f32 v52  }
0xdb: {  	v5 =	vmul.f32 $1.442695020e+00, v5;
	v55 =	vpop (erf);
	(erf) = vpow2.f32 v53  }
0xdc: {  	v56 =	vpop (erf);
	(erf) = vpow2.f32 v4  }
0xdd: {  	v57 =	vpop (erf);
	(erf) = vpow2.f32 v5  }
0xde: {  	v58 =	vpop (erf)  }
0xdf: {  	v59 =	vpop (erf)  }
0xe0: {  	v60 =	vpop (erf)  }
0xe1: {  	v12 =	vadd.f32 v12, v15;
	v61 =	vpop (erf)  }
0xe2: {  	v14 =	vadd.f32 v54, v14;
	v9 =	vadd.f32 v56, v9;
	v21 =	vpop (erf)  }
0xe3: {  	v13 =	vadd.f32 v57, v13;
	v12 =	vadd.f32 v59, v12;
	v22 =	vpop (erf)  }
0xe4: {  	v14 =	vadd.f32 v1, v14;
	v9 =	vadd.f32 v6, v9;
	v23 =	vpop (erf)  }
0xe5: {  	v13 =	vadd.f32 v58, v13;
	v12 =	vadd.f32 v60, v12;
	v24 =	vpop (erf)  }
0xe6: {  	v14 =	vadd.f32 v51, v14;
	v9 =	vadd.f32 v21, v9;
	v25 =	vpop (erf)  }
0xe7: {  	v13 =	vadd.f32 v61, v13;
	v12 =	vadd.f32 v25, v12  }
0xe8: {  	v14 =	vadd.f32 v55, v14;
	v9 =	vadd.f32 v22, v9  }
0xe9: {  	v13 =	vadd.f32 v23, v13;
	v12 =	vadd.f32 v24, v12;
	_ =	sdelay $0x1  }
0xea: {  	v9 =	vadd.f32 v13, v9;
	v12 =	vadd.f32 v12, v14;
	_ =	sdelay $0x1  }
0xeb: {  	v9 =	vadd.f32 v9, v12;
	_ =	sdelay $0x1  }
0xec: {  	(xrf2) =	vadd.scan.msk.f32 $0xffff, v9;
	_ =	sdelay $0x3  }
0xed: {  	v2 =	vmax.f32 v3, v2  }
0xee: {  	v2 =	vmax.f32 v2, v54  }
0xef: {  	v1 =	vmax.f32 v2, v1  }
0xf0: {  	v62 =	vmax.f32 v11, v56;
	v1 =	vmax.f32 v1, v51;
	v2 =	vmax.f32 v10, v57  }
0xf1: {  	v4 =	vmax.f32 v62, v6;
	v2 =	vmax.f32 v2, v58;
	v3 =	vmax.f32 v8, v59  }
0xf2: {  	v1 =	vmax.f32 v1, v55;
	v3 =	vmax.f32 v3, v60;
	v4 =	vmax.f32 v4, v21  }
0xf3: {  	v2 =	vmax.f32 v2, v61;
	v4 =	vmax.f32 v4, v22;
	v3 =	vmax.f32 v3, v25;
	v63, _, _ =	vpop (xrf2)  }
0xf4: {  	v2 =	vmax.f32 v2, v23;
	v3 =	vmax.f32 v3, v24;
	v5 =	vbroadcast v63, $0xF  }
0xf5: {  	v2 =	vmax.f32 v4, v2;
	v1 =	vmax.f32 v1, v3  }
0xf6: {  	v1 =	vmax.f32 v1, v2;
	(erf) = vrcp.f32 v5  }
0xf7: {  	(xrf0) =	vmax.scan.msk.f32 $0xffff, v1;
	_ =	sdelay $0x5  }
0xf8: {  	v1, _, _ =	vpop (xrf0)  }
0xf9: {  	v1 =	vbroadcast v1, $0xF  }
0xfa: {  	v2 =	vpop (erf)  }
0xfb: {  	v1 =	vmul.f32 v2, v1;
	_ =	sdelay $0x1  }
0xfc: {  	v1 =	vmul.f32 $-2.000000030e-01, v1;
	_ =	sdelay $0x1  }
0xfd: {  	v2 =	vmul.f32 $-1.250000000e-01, v1;
	_ =	sdelay $0x1  }
0xfe: {  	v2 =	vadd.f32 $1.428571490e-01, v2;
	_ =	sdelay $0x1  }
0xff: {  	v2 =	vmul.f32 v2, v1;
	_ =	sdelay $0x1  }
0x100: {  	v2 =	vadd.f32 $-1.666666720e-01, v2;
	_ =	sdelay $0x1  }
0x101: {  	v2 =	vmul.f32 v2, v1;
	_ =	sdelay $0x1  }
0x102: {  	v2 =	vadd.f32 $2.000000030e-01, v2;
	_ =	sdelay $0x1  }
0x103: {  	v2 =	vmul.f32 v2, v1;
	_ =	sdelay $0x1  }
0x104: {  	v2 =	vadd.f32 $-2.500000000e-01, v2;
	_ =	sdelay $0x1  }
0x105: {  	v2 =	vmul.f32 v2, v1;
	_ =	sdelay $0x1  }
0x106: {  	v2 =	vadd.f32 $3.333333430e-01, v2;
	_ =	sdelay $0x1  }
0x107: {  	v2 =	vmul.f32 v2, v1;
	_ =	sdelay $0x1  }
0x108: {  	v2 =	vadd.f32 $-5.000000000e-01, v2;
	_ =	sdelay $0x1  }
0x109: {  	v2 =	vmul.f32 v2, v1;
	_ =	sdelay $0x1  }
0x10a: {  	v2 =	vadd.f32 $1.000000000e+00, v2;
	_ =	sdelay $0x1  }
0x10b: {  	s17 =	sadd.s32 $0x1, s17;
	v1 =	vmul.f32 v2, v1  }
0x10c: {  	p0 =	sne.s32 s17, $0x8  }
.Ltmp3:
0x10d: {  	v1 =	vadd.f32 $2.231435480e-01, v1;
	(pc) =	sbr.rel @p0 .LBB2_7-.Ltmp3, $3  }
0x10e: {  	_ = 	snop  }
0x10f: {  	v1 =	vmul.f32 v1, v1;
	_ =	sdelay $0x1  }
0x110: {  	s18 =	sadd.s32 $0x80, s18;
	v0 =	vadd.f32 v1, v0  }
0x111: {  	s16 =	sadd.s32 $0x1, s16  }
0x112: {  	p0 =	sne.s32 s16, $0xE  }
.Ltmp4:
0x113: {  	_ = 	snop;
	(pc) =	sbr.rel @p0 .LBB2_2-.Ltmp4, $1  }
0x114: {  	_ =	sdelay $0x3  }
0x115: {  	[tilespmem:s12], [sflag:$0x3] =	stream.linear.gather [hbm4b:s3+s2], $0x80, $0x38;
	[tilespmem:$0x10100] =	vst v63  }
0x116: {  	_ =	swait.ge [sflag:s13], $0x80  }
0x117: {  	[sflag:s13] =	ssyncset.done $0x0  }
0x118: {  	[sflag:s13] =	ssyncadd.s32 $0xFFFFFF80  }
0x119: {  	v1 =	vld [tilespmem:$0x10000];
	_ =	sdelay $0x4  }
0x11a: {  	(v2sf) =	vpush v1, $0x0  }
0x11b: {  	(v2sf) =	vpush v1, $0x1  }
0x11c: {  	(v2sf) =	vpush v1, $0x2;
	_ =	sdelay $0x3  }
0x11d: {  	(v2sf) =	vpush v0, $0x0;
	_ =	sdelay $0x8  }
0x11e: {  	s16 =	spop (v2sf)  }
0x11f: {  	s17 =	spop (v2sf)  }
0x120: {  	s18 =	spop (v2sf)  }
0x121: {  	p0 =	seq.f32 s18, $1.000000000e+00  }
0x122: {  	p1 =	sgt.f32 s17, s16;
	s16 =	simm.f32 $0.0e+00  }
0x123: {  	s16 =	simm.s32 @!p0 $0x3F800000  }
0x124: {  	s31 =	spop (v2sf);
	s16 =	simm.s32 @!p1 $0x3F800000  }
0x125: {  	s16 =	smul.f32 s16, s31;
	_ =	sdelay $0x1  }
0x126: {  	s16 =	smul.f32 $6.103515630e-05, s16;
	_ =	sdelay $0x1  }
0x127: {  	s15 =	sadd.s32 $0x1, s15;
	v63 =	vmov s16  }
0x128: {  	p0 =	sne.s32 s15, s6;
	v0 =	vnsel vm0, $0x0, v63  }
.Ltmp5:
0x129: {  	[tilespmem:$0x10080] =	vst v0;
	(pc) =	sbr.rel @p0 .LBB2_1-.Ltmp5, $4  }
0x12a: {  	[hbm4b:s5+s2] =	stream.linear.scatter [tilespmem:s14], [sflag:$0x3], $0x80, $0x38;
	[tilespmem:$0x10100] =	vst v63  }
0x12b: {  	_ =	swait.ge [sflag:s13], $0x80  }
0x12c: {  	[sflag:s13] =	ssyncset.done $0x0  }
0x12d: {  	[sflag:s13] =	ssyncadd.s32 $0xFFFFFF80  }
0x12e: {  	_ =	sfence.sel $0x180000  }
0x12f: {  	[bflag:$0x0] =	sbarrier.arrive $0xFFFF  }
0x130: {  	p0 =	sne.s32 s1, $0x0;
	_ =	strace $0x90000047  }
0x131: {  	s0 =	sadd.s32 @!p0 $0x100000, s0;
	[bflag:$0x2] =	sbarrier.arrive $0xFFFF  }
0x132: {  	[sflag:s0] =	ssyncadd.tile.s32 @!p0 $0x1;
	_ =	shalt  }
.Lfunc_end2:
_tile_overlayer_lowered:
.L_overlay_start_2:
0x133: {  	(tag) =	ssettag $0x2  }
0x134: {  	s0 =	rddreg [dreg:$0x0];
	s2 =	stileid.u32  }
0x135: {  	s1 =	rddreg [dreg:$0x1];
	p0 =	sne.s32 s2, $0x0  }
0x136: {  	s3 =	rddreg [dreg:$0x2];
	[bflag:$0x3] =	sbarrier.arrive $0xFFFF;
	s2 =	simm.s32 @!p0 $0x1C03  }
0x137: {  	[timem:s3], [sflag:s2] =	dma.local @!p0 [hbm:s0], s1  }
0x138: {  	s0 =	simm.s32 @!p0 $0x3  }
0x139: {  	_ =	swait.ge @!p0 [sflag:s0], s1  }
0x13a: {  	s1 =	ssub.s32 @!p0 $0x0, s1;
	[sflag:s0] =	ssyncset.done @!p0 $0x0  }
0x13b: {  	[sflag:s0] =	ssyncadd.s32 @!p0 s1  }
0x13c: {  	[bflag:$0x3] =	sbarrier.arrive $0xFFFF  }
0x13d: {  	_ =	shalt  }

</sc_bundles>
